<compile_context>
chip_gen: v7x
topology: tpu7x:2x2x1
jax: 0.10.2.dev20260603
libtpu: 0.0.44.dev20260713+nightly
codegen_flags: <defaults>
</compile_context>

<pallas_src>
import jax
import jax.numpy as jnp
from jax import lax
from jax.experimental import pallas as pl
from jax.experimental.pallas import tpu as pltpu
from jax.experimental.pallas import tpu_sc as plsc

NUM_ROWS = 1001
EMB = 64
OUT = 64
PAD_V = 1024
PAD_O = 64
OUT_P = 128

BATCH = 4096
HIST = 200
BTOT = BATCH * HIST

NC = 2
NS = 16
NW = NC * NS
ROWS_W = BATCH // NW
SPLIT = (128, 72)
NSTEP = ROWS_W * 2
HIST_P = 256

NBUF = 8
PDIST = 4


def _proj_body(tab_ref, w_ref, b_ref, out_ref):
    r = lax.broadcasted_iota(jnp.int32, (PAD_V, 1), 0)
    tab = jnp.where(r == 0, 0.0, tab_ref[...])
    acc = lax.dot_general(tab, w_ref[...], (((1,), (1,)), ((), ())),
                          preferred_element_type=jnp.float32)
    out_ref[...] = jnp.tanh(acc + b_ref[...])


def _project_table(tab_padded, W, b2):
    return pl.pallas_call(
        _proj_body,
        out_shape=jax.ShapeDtypeStruct((PAD_V, PAD_O), jnp.float32),
    )(tab_padded, W, b2)


def _gather_body(idx_hbm, p_hbm, out_hbm, idx_v, rows_v, p_sh, gsem, osem):
    c = lax.axis_index("c")
    s = lax.axis_index("s")
    wid = s * NC + c

    @pl.when(s == 0)
    def _():
        pltpu.sync_copy(p_hbm, p_sh)

    pltpu.sync_copy(idx_hbm.at[pl.ds(wid * ROWS_W, ROWS_W)], idx_v)
    plsc.subcore_barrier()

    def parts(step, j):
        half = j % 2
        r = lax.div(step, 2)
        off = 0 if half == 0 else SPLIT[0]
        n = SPLIT[half]
        brow = wid * ROWS_W + r
        return r, off, n, brow

    def fire_gather(step, j, b):
        r, off, n, brow = parts(step, j)
        pltpu.async_copy(p_sh.at[idx_v.at[r, pl.ds(off, n)]],
                         rows_v.at[b, pl.ds(0, n)], gsem.at[b])

    def wait_gather(step, j, b):
        r, off, n, brow = parts(step, j)
        pltpu.make_async_copy(p_sh.at[idx_v.at[r, pl.ds(off, n)]],
                              rows_v.at[b, pl.ds(0, n)], gsem.at[b]).wait()

    def fire_store(step, j, b):
        r, off, n, brow = parts(step, j)
        pltpu.async_copy(rows_v.at[b, pl.ds(0, n)],
                         out_hbm.at[brow, pl.ds(off, n), pl.ds(0, OUT)],
                         osem.at[b])

    def wait_store(step, j, b):
        r, off, n, brow = parts(step, j)
        pltpu.make_async_copy(rows_v.at[b, pl.ds(0, n)],
                              out_hbm.at[brow, pl.ds(off, n), pl.ds(0, OUT)],
                              osem.at[b]).wait()

    for b in range(PDIST):
        fire_gather(b, b, b)

    def round_body(rr, carry):
        t = rr * NBUF
        for j in range(NBUF):
            step = t + j
            wait_gather(step, j, j)
            fire_store(step, j, j)
            nstep = step + PDIST
            nj = (j + PDIST) % NBUF

            @pl.when(nstep < NSTEP)
            def _():
                @pl.when(nstep >= NBUF)
                def _():
                    wait_store(nstep - NBUF, (j + PDIST) % NBUF, nj)
                fire_gather(nstep, (j + PDIST) % NBUF, nj)
        return carry

    lax.fori_loop(0, NSTEP // NBUF, round_body, 0)

    for j in range(NBUF):
        step = NSTEP - NBUF + j
        wait_store(step, j, j)


def _gather(sentiment, P):
    mesh = plsc.VectorSubcoreMesh(core_axis_name="c", subcore_axis_name="s")
    return pl.kernel(
        _gather_body,
        mesh=mesh,
        compiler_params=pltpu.CompilerParams(use_tc_tiling_on_sc=False),
        out_type=jax.ShapeDtypeStruct((BATCH, HIST, OUT_P), jnp.float32),
        scratch_types=[
            pltpu.VMEM((ROWS_W, HIST_P), jnp.int32),
            pltpu.VMEM((NBUF, max(SPLIT), PAD_O), jnp.float32),
            pltpu.MemorySpace.VMEM_SHARED((PAD_V, PAD_O), jnp.float32),
            pltpu.SemaphoreType.DMA((NBUF,)),
            pltpu.SemaphoreType.DMA((NBUF,)),
        ],
    )(sentiment, P)


def kernel(sentiment, table, W, b):
    sent_p = jnp.pad(sentiment, ((0, 0), (0, HIST_P - HIST)))
    tab_p = jnp.zeros((PAD_V, EMB), table.dtype).at[:NUM_ROWS].set(table)
    Wp = jnp.zeros((PAD_O, EMB), W.dtype).at[:OUT].set(W)
    b2 = jnp.zeros((1, PAD_O), b.dtype).at[0, :OUT].set(b)
    P = _project_table(tab_p, Wp, b2)
    return _gather(sent_p, P)[:, :, :OUT]

# --- scband reference (transcript-rebuilt; emitter-appended) ---
"""Pipeline reference for scband-sentiment-encoder-66614942761573 (READ-ONLY COPY).

The authoritative reference and input builder live on the scoring server;
editing this copy changes nothing except your own understanding.
"""

import jax, jax.numpy as jnp
import numpy as np

NUM_SENT_CLASSES = 1000
SENT_EMBED_DIM = 64
SENT_OUTPUT_DIM = 64
BATCH = 4096
HIST_LEN = 200


def setup_inputs(seed: int = 0) -> dict:
    key = jax.random.key(seed)
    k_idx, k_tab, k_w, k_b = jax.random.split(key, 4)
    sentiment = jax.random.randint(k_idx, (BATCH, HIST_LEN), 0, NUM_SENT_CLASSES + 1, dtype=jnp.int32)
    # Embedding table with padding_idx=0 -> row 0 is zeros at init
    table = jax.random.normal(k_tab, (NUM_SENT_CLASSES + 1, SENT_EMBED_DIM), dtype=jnp.float32) * 0.02
    table = table.at[0].set(0.0)
    # Linear layer params (torch nn.Linear: y = x @ W.T + b)
    bound = 1.0 / np.sqrt(SENT_EMBED_DIM)
    W = jax.random.uniform(k_w, (SENT_OUTPUT_DIM, SENT_EMBED_DIM), dtype=jnp.float32, minval=-bound, maxval=bound)
    b = jax.random.uniform(k_b, (SENT_OUTPUT_DIM,), dtype=jnp.float32, minval=-bound, maxval=bound)
    return {"sentiment": sentiment, "table": table, "W": W, "b": b}


def reference(sentiment, table, W, b):
    # padding_idx=0 semantics: row 0 of the embedding is forced to zero
    tab = table.at[0].set(0.0)
    emb = jnp.take(tab, sentiment, axis=0)          # [B, L, E] gather (SparseCore-friendly)
    out = jnp.tanh(emb @ W.T + b)                    # [B, L, O]
    return out

if __name__ == "__main__":
    import jax
    _d = setup_inputs()
    print(jax.jit(kernel)(*tuple(_d.values())))

</pallas_src>

<mosaic_0001>
#map = affine_map<(d0, d1) -> (0, 0)>
#map1 = affine_map<(d0, d1) -> (0, 0, 0)>
module attributes {stable_mosaic.version = 14 : i64} {
  func.func @_gather_body(%arg0: i32, %arg1: i32, %arg2: memref<4096x256xi32, #tpu.memory_space<hbm>>, %arg3: memref<1024x64xf32, #tpu.memory_space<hbm>>, %arg4: memref<4096x200x128xf32, #tpu.memory_space<hbm>>, %arg5: memref<128x256xi32, #tpu.memory_space<vmem>>, %arg6: memref<8x128x64xf32, #tpu.memory_space<vmem>>, %arg7: memref<1024x64xf32, #tpu.memory_space<vmem_shared>>, %arg8: memref<8x!tpu.dma_semaphore, #tpu.memory_space<semaphore_mem>>, %arg9: memref<8x!tpu.dma_semaphore, #tpu.memory_space<semaphore_mem>>) attributes {dimension_semantics = [#tpu.dimension_semantics<core_parallel>, #tpu.dimension_semantics<subcore_parallel>], iteration_bounds = array<i64: 2, 16>, scalar_prefetch = 0 : i64, scratch_operands = 5 : i64, tpu.core_type = #tpu.core_type<sc_vector_subcore>, window_params = [{transform_indices = #map}, {transform_indices = #map}, {transform_indices = #map1}]} {
    %mul3A = arith.constant 2 : i32
    %mul3A_0 = arith.muli %arg1, %mul3A : i32
    %add3A = arith.addi %mul3A_0, %arg0 : i32
    %eq3A = arith.constant 0 : i32
    %eq3A_1 = arith.cmpi eq, %arg1, %eq3A : i32
    %convert_element_type3A = arith.extui %eq3A_1 : i1 to i32
    %cond3A = arith.constant 0 : i32
    %cond3A_2 = arith.cmpi ne, %convert_element_type3A, %cond3A : i32
    scf.if %cond3A_2 {
      "tpu.region"() ({
        %run_scoped3A = tpu.sem_alloc : memref<!tpu.dma_semaphore, #tpu.memory_space<semaphore_mem>>
        tpu.enqueue_dma source(%arg3 : memref<1024x64xf32, #tpu.memory_space<hbm>>) target(%arg7 : memref<1024x64xf32, #tpu.memory_space<vmem_shared>>) target_semaphore(%run_scoped3A : memref<!tpu.dma_semaphore, #tpu.memory_space<semaphore_mem>>)
        tpu.wait_dma2 semaphore(%run_scoped3A : memref<!tpu.dma_semaphore, #tpu.memory_space<semaphore_mem>>) src(%arg3 : memref<1024x64xf32, #tpu.memory_space<hbm>>) dst(%arg7 : memref<1024x64xf32, #tpu.memory_space<vmem_shared>>)
        tpu.yield
      }) : () -> ()
    } else {
    }
    %mul3A_3 = arith.constant 128 : i32
    %mul3A_4 = arith.muli %add3A, %mul3A_3 : i32
    "tpu.region"() ({
      %run_scoped3A = tpu.sem_alloc : memref<!tpu.dma_semaphore, #tpu.memory_space<semaphore_mem>>
      %dma_start3A_295 = arith.constant 0 : i32
      %dma_start3A_296 = tpu.memref_slice %arg2[%mul3A_4, %dma_start3A_295] : memref<4096x256xi32, #tpu.memory_space<hbm>> -> memref<128x256xi32, #tpu.memory_space<hbm>>
      %dma_start3A_297 = arith.constant 0 : i32
      %dma_start3A_298 = tpu.memref_slice %arg2[%mul3A_4, %dma_start3A_297] : memref<4096x256xi32, #tpu.memory_space<hbm>> -> memref<128x256xi32, #tpu.memory_space<hbm>>
      tpu.enqueue_dma source(%dma_start3A_298 : memref<128x256xi32, #tpu.memory_space<hbm>>) target(%arg5 : memref<128x256xi32, #tpu.memory_space<vmem>>) target_semaphore(%run_scoped3A : memref<!tpu.dma_semaphore, #tpu.memory_space<semaphore_mem>>)
      %dma_wait3A_299 = arith.constant 0 : i32
      %dma_wait3A_300 = tpu.memref_slice %arg2[%mul3A_4, %dma_wait3A_299] : memref<4096x256xi32, #tpu.memory_space<hbm>> -> memref<128x256xi32, #tpu.memory_space<hbm>>
      %dma_wait3A_301 = arith.constant 0 : i32
      %dma_wait3A_302 = tpu.memref_slice %arg2[%mul3A_4, %dma_wait3A_301] : memref<4096x256xi32, #tpu.memory_space<hbm>> -> memref<128x256xi32, #tpu.memory_space<hbm>>
      tpu.wait_dma2 semaphore(%run_scoped3A : memref<!tpu.dma_semaphore, #tpu.memory_space<semaphore_mem>>) src(%dma_wait3A_302 : memref<128x256xi32, #tpu.memory_space<hbm>>) dst(%arg5 : memref<128x256xi32, #tpu.memory_space<vmem>>)
      tpu.yield
    }) : () -> ()
    %barrier3A = arith.constant 0 : index
    tpu.barrier barrier_id(%barrier3A)
    %div3A = arith.constant 0 : i32
    %div3A_5 = arith.constant 2 : i32
    %div3A_6 = arith.divsi %div3A, %div3A_5 : i32
    %mul3A_7 = arith.constant 128 : i32
    %mul3A_8 = arith.muli %add3A, %mul3A_7 : i32
    %add3A_9 = arith.addi %mul3A_8, %div3A_6 : i32
    %dma_start3A = arith.constant 0 : i32
    %dma_start3A_10 = arith.constant 0 : i32
    %dma_start3A_11 = arith.constant 0 : i32
    %dma_start3A_12 = arith.constant 0 : i32
    %dma_start3A_13 = tpu.memref_slice %arg6[%dma_start3A, %dma_start3A_11, %dma_start3A_12] : memref<8x128x64xf32, #tpu.memory_space<vmem>> -> memref<1x128x64xf32, #tpu.memory_space<vmem>>
    %dma_start3A_14 = tpu.memref_squeeze %dma_start3A_13 : memref<1x128x64xf32, #tpu.memory_space<vmem>> -> memref<128x64xf32, #tpu.memory_space<vmem>>
    %dma_start3A_15 = arith.constant 0 : i32
    %dma_start3A_16 = tpu.memref_slice %arg5[%div3A_6, %dma_start3A_15] : memref<128x256xi32, #tpu.memory_space<vmem>> -> memref<1x128xi32, #tpu.memory_space<vmem>>
    %dma_start3A_17 = tpu.memref_squeeze %dma_start3A_16 : memref<1x128xi32, #tpu.memory_space<vmem>> -> memref<128xi32, #tpu.memory_space<vmem>>
    %dma_start3A_18 = arith.constant 0 : i32
    %dma_start3A_19 = arith.constant 0 : i32
    %dma_start3A_20 = tpu.memref_slice %arg7[%dma_start3A_18, %dma_start3A_19] : memref<1024x64xf32, #tpu.memory_space<vmem_shared>> -> memref<1024x64xf32, #tpu.memory_space<vmem_shared>>
    %dma_start3A_21 = tpu.memref_slice %arg8[%dma_start3A_10] : memref<8x!tpu.dma_semaphore, #tpu.memory_space<semaphore_mem>> -> memref<1x!tpu.dma_semaphore, #tpu.memory_space<semaphore_mem>>
    %dma_start3A_22 = tpu.memref_squeeze %dma_start3A_21 : memref<1x!tpu.dma_semaphore, #tpu.memory_space<semaphore_mem>> -> memref<!tpu.dma_semaphore, #tpu.memory_space<semaphore_mem>>
    tpu.enqueue_indirect_dma source(%dma_start3A_20 : memref<1024x64xf32, #tpu.memory_space<vmem_shared>>) target(%dma_start3A_14 : memref<128x64xf32, #tpu.memory_space<vmem>>) offsets(%dma_start3A_17 : memref<128xi32, #tpu.memory_space<vmem>>) semaphore(%dma_start3A_22 : memref<!tpu.dma_semaphore, #tpu.memory_space<semaphore_mem>>)
    %div3A_23 = arith.constant 1 : i32
    %div3A_24 = arith.constant 2 : i32
    %div3A_25 = arith.divsi %div3A_23, %div3A_24 : i32
    %mul3A_26 = arith.constant 128 : i32
    %mul3A_27 = arith.muli %add3A, %mul3A_26 : i32
    %add3A_28 = arith.addi %mul3A_27, %div3A_25 : i32
    %dma_start3A_29 = arith.constant 1 : i32
    %dma_start3A_30 = arith.constant 1 : i32
    %dma_start3A_31 = arith.constant 0 : i32
    %dma_start3A_32 = arith.constant 0 : i32
    %dma_start3A_33 = tpu.memref_slice %arg6[%dma_start3A_29, %dma_start3A_31, %dma_start3A_32] : memref<8x128x64xf32, #tpu.memory_space<vmem>> -> memref<1x72x64xf32, #tpu.memory_space<vmem>>
    %dma_start3A_34 = tpu.memref_squeeze %dma_start3A_33 : memref<1x72x64xf32, #tpu.memory_space<vmem>> -> memref<72x64xf32, #tpu.memory_space<vmem>>
    %dma_start3A_35 = arith.constant 128 : i32
    %dma_start3A_36 = tpu.memref_slice %arg5[%div3A_25, %dma_start3A_35] : memref<128x256xi32, #tpu.memory_space<vmem>> -> memref<1x72xi32, #tpu.memory_space<vmem>>
    %dma_start3A_37 = tpu.memref_squeeze %dma_start3A_36 : memref<1x72xi32, #tpu.memory_space<vmem>> -> memref<72xi32, #tpu.memory_space<vmem>>
    %dma_start3A_38 = arith.constant 0 : i32
    %dma_start3A_39 = arith.constant 0 : i32
    %dma_start3A_40 = tpu.memref_slice %arg7[%dma_start3A_38, %dma_start3A_39] : memref<1024x64xf32, #tpu.memory_space<vmem_shared>> -> memref<1024x64xf32, #tpu.memory_space<vmem_shared>>
    %dma_start3A_41 = tpu.memref_slice %arg8[%dma_start3A_30] : memref<8x!tpu.dma_semaphore, #tpu.memory_space<semaphore_mem>> -> memref<1x!tpu.dma_semaphore, #tpu.memory_space<semaphore_mem>>
    %dma_start3A_42 = tpu.memref_squeeze %dma_start3A_41 : memref<1x!tpu.dma_semaphore, #tpu.memory_space<semaphore_mem>> -> memref<!tpu.dma_semaphore, #tpu.memory_space<semaphore_mem>>
    tpu.enqueue_indirect_dma source(%dma_start3A_40 : memref<1024x64xf32, #tpu.memory_space<vmem_shared>>) target(%dma_start3A_34 : memref<72x64xf32, #tpu.memory_space<vmem>>) offsets(%dma_start3A_37 : memref<72xi32, #tpu.memory_space<vmem>>) semaphore(%dma_start3A_42 : memref<!tpu.dma_semaphore, #tpu.memory_space<semaphore_mem>>)
    %div3A_43 = arith.constant 2 : i32
    %div3A_44 = arith.constant 2 : i32
    %div3A_45 = arith.divsi %div3A_43, %div3A_44 : i32
    %mul3A_46 = arith.constant 128 : i32
    %mul3A_47 = arith.muli %add3A, %mul3A_46 : i32
    %add3A_48 = arith.addi %mul3A_47, %div3A_45 : i32
    %dma_start3A_49 = arith.constant 2 : i32
    %dma_start3A_50 = arith.constant 2 : i32
    %dma_start3A_51 = arith.constant 0 : i32
    %dma_start3A_52 = arith.constant 0 : i32
    %dma_start3A_53 = tpu.memref_slice %arg6[%dma_start3A_49, %dma_start3A_51, %dma_start3A_52] : memref<8x128x64xf32, #tpu.memory_space<vmem>> -> memref<1x128x64xf32, #tpu.memory_space<vmem>>
    %dma_start3A_54 = tpu.memref_squeeze %dma_start3A_53 : memref<1x128x64xf32, #tpu.memory_space<vmem>> -> memref<128x64xf32, #tpu.memory_space<vmem>>
    %dma_start3A_55 = arith.constant 0 : i32
    %dma_start3A_56 = tpu.memref_slice %arg5[%div3A_45, %dma_start3A_55] : memref<128x256xi32, #tpu.memory_space<vmem>> -> memref<1x128xi32, #tpu.memory_space<vmem>>
    %dma_start3A_57 = tpu.memref_squeeze %dma_start3A_56 : memref<1x128xi32, #tpu.memory_space<vmem>> -> memref<128xi32, #tpu.memory_space<vmem>>
    %dma_start3A_58 = arith.constant 0 : i32
    %dma_start3A_59 = arith.constant 0 : i32
    %dma_start3A_60 = tpu.memref_slice %arg7[%dma_start3A_58, %dma_start3A_59] : memref<1024x64xf32, #tpu.memory_space<vmem_shared>> -> memref<1024x64xf32, #tpu.memory_space<vmem_shared>>
    %dma_start3A_61 = tpu.memref_slice %arg8[%dma_start3A_50] : memref<8x!tpu.dma_semaphore, #tpu.memory_space<semaphore_mem>> -> memref<1x!tpu.dma_semaphore, #tpu.memory_space<semaphore_mem>>
    %dma_start3A_62 = tpu.memref_squeeze %dma_start3A_61 : memref<1x!tpu.dma_semaphore, #tpu.memory_space<semaphore_mem>> -> memref<!tpu.dma_semaphore, #tpu.memory_space<semaphore_mem>>
    tpu.enqueue_indirect_dma source(%dma_start3A_60 : memref<1024x64xf32, #tpu.memory_space<vmem_shared>>) target(%dma_start3A_54 : memref<128x64xf32, #tpu.memory_space<vmem>>) offsets(%dma_start3A_57 : memref<128xi32, #tpu.memory_space<vmem>>) semaphore(%dma_start3A_62 : memref<!tpu.dma_semaphore, #tpu.memory_space<semaphore_mem>>)
    %div3A_63 = arith.constant 3 : i32
    %div3A_64 = arith.constant 2 : i32
    %div3A_65 = arith.divsi %div3A_63, %div3A_64 : i32
    %mul3A_66 = arith.constant 128 : i32
    %mul3A_67 = arith.muli %add3A, %mul3A_66 : i32
    %add3A_68 = arith.addi %mul3A_67, %div3A_65 : i32
    %dma_start3A_69 = arith.constant 3 : i32
    %dma_start3A_70 = arith.constant 3 : i32
    %dma_start3A_71 = arith.constant 0 : i32
    %dma_start3A_72 = arith.constant 0 : i32
    %dma_start3A_73 = tpu.memref_slice %arg6[%dma_start3A_69, %dma_start3A_71, %dma_start3A_72] : memref<8x128x64xf32, #tpu.memory_space<vmem>> -> memref<1x72x64xf32, #tpu.memory_space<vmem>>
    %dma_start3A_74 = tpu.memref_squeeze %dma_start3A_73 : memref<1x72x64xf32, #tpu.memory_space<vmem>> -> memref<72x64xf32, #tpu.memory_space<vmem>>
    %dma_start3A_75 = arith.constant 128 : i32
    %dma_start3A_76 = tpu.memref_slice %arg5[%div3A_65, %dma_start3A_75] : memref<128x256xi32, #tpu.memory_space<vmem>> -> memref<1x72xi32, #tpu.memory_space<vmem>>
    %dma_start3A_77 = tpu.memref_squeeze %dma_start3A_76 : memref<1x72xi32, #tpu.memory_space<vmem>> -> memref<72xi32, #tpu.memory_space<vmem>>
    %dma_start3A_78 = arith.constant 0 : i32
    %dma_start3A_79 = arith.constant 0 : i32
    %dma_start3A_80 = tpu.memref_slice %arg7[%dma_start3A_78, %dma_start3A_79] : memref<1024x64xf32, #tpu.memory_space<vmem_shared>> -> memref<1024x64xf32, #tpu.memory_space<vmem_shared>>
    %dma_start3A_81 = tpu.memref_slice %arg8[%dma_start3A_70] : memref<8x!tpu.dma_semaphore, #tpu.memory_space<semaphore_mem>> -> memref<1x!tpu.dma_semaphore, #tpu.memory_space<semaphore_mem>>
    %dma_start3A_82 = tpu.memref_squeeze %dma_start3A_81 : memref<1x!tpu.dma_semaphore, #tpu.memory_space<semaphore_mem>> -> memref<!tpu.dma_semaphore, #tpu.memory_space<semaphore_mem>>
    tpu.enqueue_indirect_dma source(%dma_start3A_80 : memref<1024x64xf32, #tpu.memory_space<vmem_shared>>) target(%dma_start3A_74 : memref<72x64xf32, #tpu.memory_space<vmem>>) offsets(%dma_start3A_77 : memref<72xi32, #tpu.memory_space<vmem>>) semaphore(%dma_start3A_82 : memref<!tpu.dma_semaphore, #tpu.memory_space<semaphore_mem>>)
    %scan3A = arith.constant 0 : i32
    %scan3A_83 = arith.constant 0 : i32
    %scan3A_84 = arith.constant 32 : i32
    %scan3A_85 = arith.addi %scan3A_83, %scan3A_84 : i32
    %scan3A_86 = arith.constant 1 : i32
    scf.for %scan3A_295 = %scan3A_83 to %scan3A_85 step %scan3A_86  : i32 {
      %mul3A_296 = arith.constant 8 : i32
      %mul3A_297 = arith.muli %scan3A_295, %mul3A_296 : i32
      %add3A_298 = arith.constant 0 : i32
      %add3A_299 = arith.addi %mul3A_297, %add3A_298 : i32
      %div3A_300 = arith.constant 2 : i32
      %div3A_301 = arith.divsi %add3A_299, %div3A_300 : i32
      %mul3A_302 = arith.constant 128 : i32
      %mul3A_303 = arith.muli %add3A, %mul3A_302 : i32
      %add3A_304 = arith.addi %mul3A_303, %div3A_301 : i32
      %dma_wait3A_305 = arith.constant 0 : i32
      %dma_wait3A_306 = arith.constant 0 : i32
      %dma_wait3A_307 = arith.constant 0 : i32
      %dma_wait3A_308 = arith.constant 0 : i32
      %dma_wait3A_309 = tpu.memref_slice %arg6[%dma_wait3A_305, %dma_wait3A_307, %dma_wait3A_308] : memref<8x128x64xf32, #tpu.memory_space<vmem>> -> memref<1x128x64xf32, #tpu.memory_space<vmem>>
      %dma_wait3A_310 = tpu.memref_squeeze %dma_wait3A_309 : memref<1x128x64xf32, #tpu.memory_space<vmem>> -> memref<128x64xf32, #tpu.memory_space<vmem>>
      %dma_wait3A_311 = arith.constant 0 : i32
      %dma_wait3A_312 = tpu.memref_slice %arg5[%div3A_301, %dma_wait3A_311] : memref<128x256xi32, #tpu.memory_space<vmem>> -> memref<1x128xi32, #tpu.memory_space<vmem>>
      %dma_wait3A_313 = tpu.memref_squeeze %dma_wait3A_312 : memref<1x128xi32, #tpu.memory_space<vmem>> -> memref<128xi32, #tpu.memory_space<vmem>>
      %dma_wait3A_314 = arith.constant 0 : i32
      %dma_wait3A_315 = arith.constant 0 : i32
      %dma_wait3A_316 = tpu.memref_slice %arg7[%dma_wait3A_314, %dma_wait3A_315] : memref<1024x64xf32, #tpu.memory_space<vmem_shared>> -> memref<1024x64xf32, #tpu.memory_space<vmem_shared>>
      %dma_wait3A_317 = tpu.memref_slice %arg8[%dma_wait3A_306] : memref<8x!tpu.dma_semaphore, #tpu.memory_space<semaphore_mem>> -> memref<1x!tpu.dma_semaphore, #tpu.memory_space<semaphore_mem>>
      %dma_wait3A_318 = tpu.memref_squeeze %dma_wait3A_317 : memref<1x!tpu.dma_semaphore, #tpu.memory_space<semaphore_mem>> -> memref<!tpu.dma_semaphore, #tpu.memory_space<semaphore_mem>>
      tpu.wait_indirect_dma semaphore(%dma_wait3A_318 : memref<!tpu.dma_semaphore, #tpu.memory_space<semaphore_mem>>) src(%dma_wait3A_316 : memref<1024x64xf32, #tpu.memory_space<vmem_shared>>) dst(%dma_wait3A_310 : memref<128x64xf32, #tpu.memory_space<vmem>>)
      %div3A_319 = arith.constant 2 : i32
      %div3A_320 = arith.divsi %add3A_299, %div3A_319 : i32
      %mul3A_321 = arith.constant 128 : i32
      %mul3A_322 = arith.muli %add3A, %mul3A_321 : i32
      %add3A_323 = arith.addi %mul3A_322, %div3A_320 : i32
      %dma_start3A_324 = arith.constant 0 : i32
      %dma_start3A_325 = arith.constant 0 : i32
      %dma_start3A_326 = arith.constant 0 : i32
      %dma_start3A_327 = arith.constant 0 : i32
      %dma_start3A_328 = tpu.memref_slice %arg6[%dma_start3A_324, %dma_start3A_326, %dma_start3A_327] : memref<8x128x64xf32, #tpu.memory_space<vmem>> -> memref<1x128x64xf32, #tpu.memory_space<vmem>>
      %dma_start3A_329 = tpu.memref_squeeze %dma_start3A_328 : memref<1x128x64xf32, #tpu.memory_space<vmem>> -> memref<128x64xf32, #tpu.memory_space<vmem>>
      %dma_start3A_330 = arith.constant 0 : i32
      %dma_start3A_331 = arith.constant 0 : i32
      %dma_start3A_332 = tpu.memref_slice %arg4[%add3A_323, %dma_start3A_330, %dma_start3A_331] : memref<4096x200x128xf32, #tpu.memory_space<hbm>> -> memref<1x128x64xf32, #tpu.memory_space<hbm>>
      %dma_start3A_333 = tpu.memref_squeeze %dma_start3A_332 : memref<1x128x64xf32, #tpu.memory_space<hbm>> -> memref<128x64xf32, #tpu.memory_space<hbm>>
      %dma_start3A_334 = tpu.memref_slice %arg9[%dma_start3A_325] : memref<8x!tpu.dma_semaphore, #tpu.memory_space<semaphore_mem>> -> memref<1x!tpu.dma_semaphore, #tpu.memory_space<semaphore_mem>>
      %dma_start3A_335 = tpu.memref_squeeze %dma_start3A_334 : memref<1x!tpu.dma_semaphore, #tpu.memory_space<semaphore_mem>> -> memref<!tpu.dma_semaphore, #tpu.memory_space<semaphore_mem>>
      %dma_start3A_336 = arith.constant 0 : i32
      %dma_start3A_337 = arith.constant 0 : i32
      %dma_start3A_338 = tpu.memref_slice %arg4[%add3A_323, %dma_start3A_336, %dma_start3A_337] : memref<4096x200x128xf32, #tpu.memory_space<hbm>> -> memref<1x128x64xf32, #tpu.memory_space<hbm>>
      %dma_start3A_339 = tpu.memref_squeeze %dma_start3A_338 : memref<1x128x64xf32, #tpu.memory_space<hbm>> -> memref<128x64xf32, #tpu.memory_space<hbm>>
      %dma_start3A_340 = arith.constant 0 : i32
      %dma_start3A_341 = arith.constant 0 : i32
      %dma_start3A_342 = tpu.memref_slice %arg6[%dma_start3A_324, %dma_start3A_340, %dma_start3A_341] : memref<8x128x64xf32, #tpu.memory_space<vmem>> -> memref<1x128x64xf32, #tpu.memory_space<vmem>>
      %dma_start3A_343 = tpu.memref_squeeze %dma_start3A_342 : memref<1x128x64xf32, #tpu.memory_space<vmem>> -> memref<128x64xf32, #tpu.memory_space<vmem>>
      tpu.enqueue_dma source(%dma_start3A_343 : memref<128x64xf32, #tpu.memory_space<vmem>>) target(%dma_start3A_339 : memref<128x64xf32, #tpu.memory_space<hbm>>) target_semaphore(%dma_start3A_335 : memref<!tpu.dma_semaphore, #tpu.memory_space<semaphore_mem>>)
      %add3A_344 = arith.constant 4 : i32
      %add3A_345 = arith.addi %add3A_299, %add3A_344 : i32
      %lt3A = arith.constant 256 : i32
      %lt3A_346 = arith.cmpi slt, %add3A_345, %lt3A : i32
      %convert_element_type3A_347 = arith.extui %lt3A_346 : i1 to i32
      %cond3A_348 = arith.constant 0 : i32
      %cond3A_349 = arith.cmpi ne, %convert_element_type3A_347, %cond3A_348 : i32
      scf.if %cond3A_349 {
        %ge3A = arith.constant 8 : i32
        %ge3A_721 = arith.cmpi sge, %add3A_345, %ge3A : i32
        %convert_element_type3A_722 = arith.extui %ge3A_721 : i1 to i32
        %cond3A_723 = arith.constant 0 : i32
        %cond3A_724 = arith.cmpi ne, %convert_element_type3A_722, %cond3A_723 : i32
        scf.if %cond3A_724 {
          %sub3A = arith.constant 8 : i32
          %sub3A_744 = arith.subi %add3A_345, %sub3A : i32
          %div3A_745 = arith.constant 2 : i32
          %div3A_746 = arith.divsi %sub3A_744, %div3A_745 : i32
          %mul3A_747 = arith.constant 128 : i32
          %mul3A_748 = arith.muli %add3A, %mul3A_747 : i32
          %add3A_749 = arith.addi %mul3A_748, %div3A_746 : i32
          %dma_wait3A_750 = arith.constant 4 : i32
          %dma_wait3A_751 = arith.constant 4 : i32
          %dma_wait3A_752 = arith.constant 0 : i32
          %dma_wait3A_753 = arith.constant 0 : i32
          %dma_wait3A_754 = tpu.memref_slice %arg6[%dma_wait3A_750, %dma_wait3A_752, %dma_wait3A_753] : memref<8x128x64xf32, #tpu.memory_space<vmem>> -> memref<1x128x64xf32, #tpu.memory_space<vmem>>
          %dma_wait3A_755 = tpu.memref_squeeze %dma_wait3A_754 : memref<1x128x64xf32, #tpu.memory_space<vmem>> -> memref<128x64xf32, #tpu.memory_space<vmem>>
          %dma_wait3A_756 = arith.constant 0 : i32
          %dma_wait3A_757 = arith.constant 0 : i32
          %dma_wait3A_758 = tpu.memref_slice %arg4[%add3A_749, %dma_wait3A_756, %dma_wait3A_757] : memref<4096x200x128xf32, #tpu.memory_space<hbm>> -> memref<1x128x64xf32, #tpu.memory_space<hbm>>
          %dma_wait3A_759 = tpu.memref_squeeze %dma_wait3A_758 : memref<1x128x64xf32, #tpu.memory_space<hbm>> -> memref<128x64xf32, #tpu.memory_space<hbm>>
          %dma_wait3A_760 = tpu.memref_slice %arg9[%dma_wait3A_751] : memref<8x!tpu.dma_semaphore, #tpu.memory_space<semaphore_mem>> -> memref<1x!tpu.dma_semaphore, #tpu.memory_space<semaphore_mem>>
          %dma_wait3A_761 = tpu.memref_squeeze %dma_wait3A_760 : memref<1x!tpu.dma_semaphore, #tpu.memory_space<semaphore_mem>> -> memref<!tpu.dma_semaphore, #tpu.memory_space<semaphore_mem>>
          %dma_wait3A_762 = arith.constant 0 : i32
          %dma_wait3A_763 = arith.constant 0 : i32
          %dma_wait3A_764 = tpu.memref_slice %arg4[%add3A_749, %dma_wait3A_762, %dma_wait3A_763] : memref<4096x200x128xf32, #tpu.memory_space<hbm>> -> memref<1x128x64xf32, #tpu.memory_space<hbm>>
          %dma_wait3A_765 = tpu.memref_squeeze %dma_wait3A_764 : memref<1x128x64xf32, #tpu.memory_space<hbm>> -> memref<128x64xf32, #tpu.memory_space<hbm>>
          %dma_wait3A_766 = arith.constant 0 : i32
          %dma_wait3A_767 = arith.constant 0 : i32
          %dma_wait3A_768 = tpu.memref_slice %arg6[%dma_wait3A_750, %dma_wait3A_766, %dma_wait3A_767] : memref<8x128x64xf32, #tpu.memory_space<vmem>> -> memref<1x128x64xf32, #tpu.memory_space<vmem>>
          %dma_wait3A_769 = tpu.memref_squeeze %dma_wait3A_768 : memref<1x128x64xf32, #tpu.memory_space<vmem>> -> memref<128x64xf32, #tpu.memory_space<vmem>>
          tpu.wait_dma2 semaphore(%dma_wait3A_761 : memref<!tpu.dma_semaphore, #tpu.memory_space<semaphore_mem>>) src(%dma_wait3A_769 : memref<128x64xf32, #tpu.memory_space<vmem>>) dst(%dma_wait3A_765 : memref<128x64xf32, #tpu.memory_space<hbm>>)
        } else {
        }
        %div3A_725 = arith.constant 2 : i32
        %div3A_726 = arith.divsi %add3A_345, %div3A_725 : i32
        %mul3A_727 = arith.constant 128 : i32
        %mul3A_728 = arith.muli %add3A, %mul3A_727 : i32
        %add3A_729 = arith.addi %mul3A_728, %div3A_726 : i32
        %dma_start3A_730 = arith.constant 4 : i32
        %dma_start3A_731 = arith.constant 4 : i32
        %dma_start3A_732 = arith.constant 0 : i32
        %dma_start3A_733 = arith.constant 0 : i32
        %dma_start3A_734 = tpu.memref_slice %arg6[%dma_start3A_730, %dma_start3A_732, %dma_start3A_733] : memref<8x128x64xf32, #tpu.memory_space<vmem>> -> memref<1x128x64xf32, #tpu.memory_space<vmem>>
        %dma_start3A_735 = tpu.memref_squeeze %dma_start3A_734 : memref<1x128x64xf32, #tpu.memory_space<vmem>> -> memref<128x64xf32, #tpu.memory_space<vmem>>
        %dma_start3A_736 = arith.constant 0 : i32
        %dma_start3A_737 = tpu.memref_slice %arg5[%div3A_726, %dma_start3A_736] : memref<128x256xi32, #tpu.memory_space<vmem>> -> memref<1x128xi32, #tpu.memory_space<vmem>>
        %dma_start3A_738 = tpu.memref_squeeze %dma_start3A_737 : memref<1x128xi32, #tpu.memory_space<vmem>> -> memref<128xi32, #tpu.memory_space<vmem>>
        %dma_start3A_739 = arith.constant 0 : i32
        %dma_start3A_740 = arith.constant 0 : i32
        %dma_start3A_741 = tpu.memref_slice %arg7[%dma_start3A_739, %dma_start3A_740] : memref<1024x64xf32, #tpu.memory_space<vmem_shared>> -> memref<1024x64xf32, #tpu.memory_space<vmem_shared>>
        %dma_start3A_742 = tpu.memref_slice %arg8[%dma_start3A_731] : memref<8x!tpu.dma_semaphore, #tpu.memory_space<semaphore_mem>> -> memref<1x!tpu.dma_semaphore, #tpu.memory_space<semaphore_mem>>
        %dma_start3A_743 = tpu.memref_squeeze %dma_start3A_742 : memref<1x!tpu.dma_semaphore, #tpu.memory_space<semaphore_mem>> -> memref<!tpu.dma_semaphore, #tpu.memory_space<semaphore_mem>>
        tpu.enqueue_indirect_dma source(%dma_start3A_741 : memref<1024x64xf32, #tpu.memory_space<vmem_shared>>) target(%dma_start3A_735 : memref<128x64xf32, #tpu.memory_space<vmem>>) offsets(%dma_start3A_738 : memref<128xi32, #tpu.memory_space<vmem>>) semaphore(%dma_start3A_743 : memref<!tpu.dma_semaphore, #tpu.memory_space<semaphore_mem>>)
      } else {
      }
      %add3A_350 = arith.constant 1 : i32
      %add3A_351 = arith.addi %mul3A_297, %add3A_350 : i32
      %div3A_352 = arith.constant 2 : i32
      %div3A_353 = arith.divsi %add3A_351, %div3A_352 : i32
      %mul3A_354 = arith.constant 128 : i32
      %mul3A_355 = arith.muli %add3A, %mul3A_354 : i32
      %add3A_356 = arith.addi %mul3A_355, %div3A_353 : i32
      %dma_wait3A_357 = arith.constant 1 : i32
      %dma_wait3A_358 = arith.constant 1 : i32
      %dma_wait3A_359 = arith.constant 0 : i32
      %dma_wait3A_360 = arith.constant 0 : i32
      %dma_wait3A_361 = tpu.memref_slice %arg6[%dma_wait3A_357, %dma_wait3A_359, %dma_wait3A_360] : memref<8x128x64xf32, #tpu.memory_space<vmem>> -> memref<1x72x64xf32, #tpu.memory_space<vmem>>
      %dma_wait3A_362 = tpu.memref_squeeze %dma_wait3A_361 : memref<1x72x64xf32, #tpu.memory_space<vmem>> -> memref<72x64xf32, #tpu.memory_space<vmem>>
      %dma_wait3A_363 = arith.constant 128 : i32
      %dma_wait3A_364 = tpu.memref_slice %arg5[%div3A_353, %dma_wait3A_363] : memref<128x256xi32, #tpu.memory_space<vmem>> -> memref<1x72xi32, #tpu.memory_space<vmem>>
      %dma_wait3A_365 = tpu.memref_squeeze %dma_wait3A_364 : memref<1x72xi32, #tpu.memory_space<vmem>> -> memref<72xi32, #tpu.memory_space<vmem>>
      %dma_wait3A_366 = arith.constant 0 : i32
      %dma_wait3A_367 = arith.constant 0 : i32
      %dma_wait3A_368 = tpu.memref_slice %arg7[%dma_wait3A_366, %dma_wait3A_367] : memref<1024x64xf32, #tpu.memory_space<vmem_shared>> -> memref<1024x64xf32, #tpu.memory_space<vmem_shared>>
      %dma_wait3A_369 = tpu.memref_slice %arg8[%dma_wait3A_358] : memref<8x!tpu.dma_semaphore, #tpu.memory_space<semaphore_mem>> -> memref<1x!tpu.dma_semaphore, #tpu.memory_space<semaphore_mem>>
      %dma_wait3A_370 = tpu.memref_squeeze %dma_wait3A_369 : memref<1x!tpu.dma_semaphore, #tpu.memory_space<semaphore_mem>> -> memref<!tpu.dma_semaphore, #tpu.memory_space<semaphore_mem>>
      tpu.wait_indirect_dma semaphore(%dma_wait3A_370 : memref<!tpu.dma_semaphore, #tpu.memory_space<semaphore_mem>>) src(%dma_wait3A_368 : memref<1024x64xf32, #tpu.memory_space<vmem_shared>>) dst(%dma_wait3A_362 : memref<72x64xf32, #tpu.memory_space<vmem>>)
      %div3A_371 = arith.constant 2 : i32
      %div3A_372 = arith.divsi %add3A_351, %div3A_371 : i32
      %mul3A_373 = arith.constant 128 : i32
      %mul3A_374 = arith.muli %add3A, %mul3A_373 : i32
      %add3A_375 = arith.addi %mul3A_374, %div3A_372 : i32
      %dma_start3A_376 = arith.constant 1 : i32
      %dma_start3A_377 = arith.constant 1 : i32
      %dma_start3A_378 = arith.constant 0 : i32
      %dma_start3A_379 = arith.constant 0 : i32
      %dma_start3A_380 = tpu.memref_slice %arg6[%dma_start3A_376, %dma_start3A_378, %dma_start3A_379] : memref<8x128x64xf32, #tpu.memory_space<vmem>> -> memref<1x72x64xf32, #tpu.memory_space<vmem>>
      %dma_start3A_381 = tpu.memref_squeeze %dma_start3A_380 : memref<1x72x64xf32, #tpu.memory_space<vmem>> -> memref<72x64xf32, #tpu.memory_space<vmem>>
      %dma_start3A_382 = arith.constant 128 : i32
      %dma_start3A_383 = arith.constant 0 : i32
      %dma_start3A_384 = tpu.memref_slice %arg4[%add3A_375, %dma_start3A_382, %dma_start3A_383] : memref<4096x200x128xf32, #tpu.memory_space<hbm>> -> memref<1x72x64xf32, #tpu.memory_space<hbm>>
      %dma_start3A_385 = tpu.memref_squeeze %dma_start3A_384 : memref<1x72x64xf32, #tpu.memory_space<hbm>> -> memref<72x64xf32, #tpu.memory_space<hbm>>
      %dma_start3A_386 = tpu.memref_slice %arg9[%dma_start3A_377] : memref<8x!tpu.dma_semaphore, #tpu.memory_space<semaphore_mem>> -> memref<1x!tpu.dma_semaphore, #tpu.memory_space<semaphore_mem>>
      %dma_start3A_387 = tpu.memref_squeeze %dma_start3A_386 : memref<1x!tpu.dma_semaphore, #tpu.memory_space<semaphore_mem>> -> memref<!tpu.dma_semaphore, #tpu.memory_space<semaphore_mem>>
      %dma_start3A_388 = arith.constant 128 : i32
      %dma_start3A_389 = arith.constant 0 : i32
      %dma_start3A_390 = tpu.memref_slice %arg4[%add3A_375, %dma_start3A_388, %dma_start3A_389] : memref<4096x200x128xf32, #tpu.memory_space<hbm>> -> memref<1x72x64xf32, #tpu.memory_space<hbm>>
      %dma_start3A_391 = tpu.memref_squeeze %dma_start3A_390 : memref<1x72x64xf32, #tpu.memory_space<hbm>> -> memref<72x64xf32, #tpu.memory_space<hbm>>
      %dma_start3A_392 = arith.constant 0 : i32
      %dma_start3A_393 = arith.constant 0 : i32
      %dma_start3A_394 = tpu.memref_slice %arg6[%dma_start3A_376, %dma_start3A_392, %dma_start3A_393] : memref<8x128x64xf32, #tpu.memory_space<vmem>> -> memref<1x72x64xf32, #tpu.memory_space<vmem>>
      %dma_start3A_395 = tpu.memref_squeeze %dma_start3A_394 : memref<1x72x64xf32, #tpu.memory_space<vmem>> -> memref<72x64xf32, #tpu.memory_space<vmem>>
      tpu.enqueue_dma source(%dma_start3A_395 : memref<72x64xf32, #tpu.memory_space<vmem>>) target(%dma_start3A_391 : memref<72x64xf32, #tpu.memory_space<hbm>>) target_semaphore(%dma_start3A_387 : memref<!tpu.dma_semaphore, #tpu.memory_space<semaphore_mem>>)
      %add3A_396 = arith.constant 4 : i32
      %add3A_397 = arith.addi %add3A_351, %add3A_396 : i32
      %lt3A_398 = arith.constant 256 : i32
      %lt3A_399 = arith.cmpi slt, %add3A_397, %lt3A_398 : i32
      %convert_element_type3A_400 = arith.extui %lt3A_399 : i1 to i32
      %cond3A_401 = arith.constant 0 : i32
      %cond3A_402 = arith.cmpi ne, %convert_element_type3A_400, %cond3A_401 : i32
      scf.if %cond3A_402 {
        %ge3A = arith.constant 8 : i32
        %ge3A_721 = arith.cmpi sge, %add3A_397, %ge3A : i32
        %convert_element_type3A_722 = arith.extui %ge3A_721 : i1 to i32
        %cond3A_723 = arith.constant 0 : i32
        %cond3A_724 = arith.cmpi ne, %convert_element_type3A_722, %cond3A_723 : i32
        scf.if %cond3A_724 {
          %sub3A = arith.constant 8 : i32
          %sub3A_744 = arith.subi %add3A_397, %sub3A : i32
          %div3A_745 = arith.constant 2 : i32
          %div3A_746 = arith.divsi %sub3A_744, %div3A_745 : i32
          %mul3A_747 = arith.constant 128 : i32
          %mul3A_748 = arith.muli %add3A, %mul3A_747 : i32
          %add3A_749 = arith.addi %mul3A_748, %div3A_746 : i32
          %dma_wait3A_750 = arith.constant 5 : i32
          %dma_wait3A_751 = arith.constant 5 : i32
          %dma_wait3A_752 = arith.constant 0 : i32
          %dma_wait3A_753 = arith.constant 0 : i32
          %dma_wait3A_754 = tpu.memref_slice %arg6[%dma_wait3A_750, %dma_wait3A_752, %dma_wait3A_753] : memref<8x128x64xf32, #tpu.memory_space<vmem>> -> memref<1x72x64xf32, #tpu.memory_space<vmem>>
          %dma_wait3A_755 = tpu.memref_squeeze %dma_wait3A_754 : memref<1x72x64xf32, #tpu.memory_space<vmem>> -> memref<72x64xf32, #tpu.memory_space<vmem>>
          %dma_wait3A_756 = arith.constant 128 : i32
          %dma_wait3A_757 = arith.constant 0 : i32
          %dma_wait3A_758 = tpu.memref_slice %arg4[%add3A_749, %dma_wait3A_756, %dma_wait3A_757] : memref<4096x200x128xf32, #tpu.memory_space<hbm>> -> memref<1x72x64xf32, #tpu.memory_space<hbm>>
          %dma_wait3A_759 = tpu.memref_squeeze %dma_wait3A_758 : memref<1x72x64xf32, #tpu.memory_space<hbm>> -> memref<72x64xf32, #tpu.memory_space<hbm>>
          %dma_wait3A_760 = tpu.memref_slice %arg9[%dma_wait3A_751] : memref<8x!tpu.dma_semaphore, #tpu.memory_space<semaphore_mem>> -> memref<1x!tpu.dma_semaphore, #tpu.memory_space<semaphore_mem>>
          %dma_wait3A_761 = tpu.memref_squeeze %dma_wait3A_760 : memref<1x!tpu.dma_semaphore, #tpu.memory_space<semaphore_mem>> -> memref<!tpu.dma_semaphore, #tpu.memory_space<semaphore_mem>>
          %dma_wait3A_762 = arith.constant 128 : i32
          %dma_wait3A_763 = arith.constant 0 : i32
          %dma_wait3A_764 = tpu.memref_slice %arg4[%add3A_749, %dma_wait3A_762, %dma_wait3A_763] : memref<4096x200x128xf32, #tpu.memory_space<hbm>> -> memref<1x72x64xf32, #tpu.memory_space<hbm>>
          %dma_wait3A_765 = tpu.memref_squeeze %dma_wait3A_764 : memref<1x72x64xf32, #tpu.memory_space<hbm>> -> memref<72x64xf32, #tpu.memory_space<hbm>>
          %dma_wait3A_766 = arith.constant 0 : i32
          %dma_wait3A_767 = arith.constant 0 : i32
          %dma_wait3A_768 = tpu.memref_slice %arg6[%dma_wait3A_750, %dma_wait3A_766, %dma_wait3A_767] : memref<8x128x64xf32, #tpu.memory_space<vmem>> -> memref<1x72x64xf32, #tpu.memory_space<vmem>>
          %dma_wait3A_769 = tpu.memref_squeeze %dma_wait3A_768 : memref<1x72x64xf32, #tpu.memory_space<vmem>> -> memref<72x64xf32, #tpu.memory_space<vmem>>
          tpu.wait_dma2 semaphore(%dma_wait3A_761 : memref<!tpu.dma_semaphore, #tpu.memory_space<semaphore_mem>>) src(%dma_wait3A_769 : memref<72x64xf32, #tpu.memory_space<vmem>>) dst(%dma_wait3A_765 : memref<72x64xf32, #tpu.memory_space<hbm>>)
        } else {
        }
        %div3A_725 = arith.constant 2 : i32
        %div3A_726 = arith.divsi %add3A_397, %div3A_725 : i32
        %mul3A_727 = arith.constant 128 : i32
        %mul3A_728 = arith.muli %add3A, %mul3A_727 : i32
        %add3A_729 = arith.addi %mul3A_728, %div3A_726 : i32
        %dma_start3A_730 = arith.constant 5 : i32
        %dma_start3A_731 = arith.constant 5 : i32
        %dma_start3A_732 = arith.constant 0 : i32
        %dma_start3A_733 = arith.constant 0 : i32
        %dma_start3A_734 = tpu.memref_slice %arg6[%dma_start3A_730, %dma_start3A_732, %dma_start3A_733] : memref<8x128x64xf32, #tpu.memory_space<vmem>> -> memref<1x72x64xf32, #tpu.memory_space<vmem>>
        %dma_start3A_735 = tpu.memref_squeeze %dma_start3A_734 : memref<1x72x64xf32, #tpu.memory_space<vmem>> -> memref<72x64xf32, #tpu.memory_space<vmem>>
        %dma_start3A_736 = arith.constant 128 : i32
        %dma_start3A_737 = tpu.memref_slice %arg5[%div3A_726, %dma_start3A_736] : memref<128x256xi32, #tpu.memory_space<vmem>> -> memref<1x72xi32, #tpu.memory_space<vmem>>
        %dma_start3A_738 = tpu.memref_squeeze %dma_start3A_737 : memref<1x72xi32, #tpu.memory_space<vmem>> -> memref<72xi32, #tpu.memory_space<vmem>>
        %dma_start3A_739 = arith.constant 0 : i32
        %dma_start3A_740 = arith.constant 0 : i32
        %dma_start3A_741 = tpu.memref_slice %arg7[%dma_start3A_739, %dma_start3A_740] : memref<1024x64xf32, #tpu.memory_space<vmem_shared>> -> memref<1024x64xf32, #tpu.memory_space<vmem_shared>>
        %dma_start3A_742 = tpu.memref_slice %arg8[%dma_start3A_731] : memref<8x!tpu.dma_semaphore, #tpu.memory_space<semaphore_mem>> -> memref<1x!tpu.dma_semaphore, #tpu.memory_space<semaphore_mem>>
        %dma_start3A_743 = tpu.memref_squeeze %dma_start3A_742 : memref<1x!tpu.dma_semaphore, #tpu.memory_space<semaphore_mem>> -> memref<!tpu.dma_semaphore, #tpu.memory_space<semaphore_mem>>
        tpu.enqueue_indirect_dma source(%dma_start3A_741 : memref<1024x64xf32, #tpu.memory_space<vmem_shared>>) target(%dma_start3A_735 : memref<72x64xf32, #tpu.memory_space<vmem>>) offsets(%dma_start3A_738 : memref<72xi32, #tpu.memory_space<vmem>>) semaphore(%dma_start3A_743 : memref<!tpu.dma_semaphore, #tpu.memory_space<semaphore_mem>>)
      } else {
      }
      %add3A_403 = arith.constant 2 : i32
      %add3A_404 = arith.addi %mul3A_297, %add3A_403 : i32
      %div3A_405 = arith.constant 2 : i32
      %div3A_406 = arith.divsi %add3A_404, %div3A_405 : i32
      %mul3A_407 = arith.constant 128 : i32
      %mul3A_408 = arith.muli %add3A, %mul3A_407 : i32
      %add3A_409 = arith.addi %mul3A_408, %div3A_406 : i32
      %dma_wait3A_410 = arith.constant 2 : i32
      %dma_wait3A_411 = arith.constant 2 : i32
      %dma_wait3A_412 = arith.constant 0 : i32
      %dma_wait3A_413 = arith.constant 0 : i32
      %dma_wait3A_414 = tpu.memref_slice %arg6[%dma_wait3A_410, %dma_wait3A_412, %dma_wait3A_413] : memref<8x128x64xf32, #tpu.memory_space<vmem>> -> memref<1x128x64xf32, #tpu.memory_space<vmem>>
      %dma_wait3A_415 = tpu.memref_squeeze %dma_wait3A_414 : memref<1x128x64xf32, #tpu.memory_space<vmem>> -> memref<128x64xf32, #tpu.memory_space<vmem>>
      %dma_wait3A_416 = arith.constant 0 : i32
      %dma_wait3A_417 = tpu.memref_slice %arg5[%div3A_406, %dma_wait3A_416] : memref<128x256xi32, #tpu.memory_space<vmem>> -> memref<1x128xi32, #tpu.memory_space<vmem>>
      %dma_wait3A_418 = tpu.memref_squeeze %dma_wait3A_417 : memref<1x128xi32, #tpu.memory_space<vmem>> -> memref<128xi32, #tpu.memory_space<vmem>>
      %dma_wait3A_419 = arith.constant 0 : i32
      %dma_wait3A_420 = arith.constant 0 : i32
      %dma_wait3A_421 = tpu.memref_slice %arg7[%dma_wait3A_419, %dma_wait3A_420] : memref<1024x64xf32, #tpu.memory_space<vmem_shared>> -> memref<1024x64xf32, #tpu.memory_space<vmem_shared>>
      %dma_wait3A_422 = tpu.memref_slice %arg8[%dma_wait3A_411] : memref<8x!tpu.dma_semaphore, #tpu.memory_space<semaphore_mem>> -> memref<1x!tpu.dma_semaphore, #tpu.memory_space<semaphore_mem>>
      %dma_wait3A_423 = tpu.memref_squeeze %dma_wait3A_422 : memref<1x!tpu.dma_semaphore, #tpu.memory_space<semaphore_mem>> -> memref<!tpu.dma_semaphore, #tpu.memory_space<semaphore_mem>>
      tpu.wait_indirect_dma semaphore(%dma_wait3A_423 : memref<!tpu.dma_semaphore, #tpu.memory_space<semaphore_mem>>) src(%dma_wait3A_421 : memref<1024x64xf32, #tpu.memory_space<vmem_shared>>) dst(%dma_wait3A_415 : memref<128x64xf32, #tpu.memory_space<vmem>>)
      %div3A_424 = arith.constant 2 : i32
      %div3A_425 = arith.divsi %add3A_404, %div3A_424 : i32
      %mul3A_426 = arith.constant 128 : i32
      %mul3A_427 = arith.muli %add3A, %mul3A_426 : i32
      %add3A_428 = arith.addi %mul3A_427, %div3A_425 : i32
      %dma_start3A_429 = arith.constant 2 : i32
      %dma_start3A_430 = arith.constant 2 : i32
      %dma_start3A_431 = arith.constant 0 : i32
      %dma_start3A_432 = arith.constant 0 : i32
      %dma_start3A_433 = tpu.memref_slice %arg6[%dma_start3A_429, %dma_start3A_431, %dma_start3A_432] : memref<8x128x64xf32, #tpu.memory_space<vmem>> -> memref<1x128x64xf32, #tpu.memory_space<vmem>>
      %dma_start3A_434 = tpu.memref_squeeze %dma_start3A_433 : memref<1x128x64xf32, #tpu.memory_space<vmem>> -> memref<128x64xf32, #tpu.memory_space<vmem>>
      %dma_start3A_435 = arith.constant 0 : i32
      %dma_start3A_436 = arith.constant 0 : i32
      %dma_start3A_437 = tpu.memref_slice %arg4[%add3A_428, %dma_start3A_435, %dma_start3A_436] : memref<4096x200x128xf32, #tpu.memory_space<hbm>> -> memref<1x128x64xf32, #tpu.memory_space<hbm>>
      %dma_start3A_438 = tpu.memref_squeeze %dma_start3A_437 : memref<1x128x64xf32, #tpu.memory_space<hbm>> -> memref<128x64xf32, #tpu.memory_space<hbm>>
      %dma_start3A_439 = tpu.memref_slice %arg9[%dma_start3A_430] : memref<8x!tpu.dma_semaphore, #tpu.memory_space<semaphore_mem>> -> memref<1x!tpu.dma_semaphore, #tpu.memory_space<semaphore_mem>>
      %dma_start3A_440 = tpu.memref_squeeze %dma_start3A_439 : memref<1x!tpu.dma_semaphore, #tpu.memory_space<semaphore_mem>> -> memref<!tpu.dma_semaphore, #tpu.memory_space<semaphore_mem>>
      %dma_start3A_441 = arith.constant 0 : i32
      %dma_start3A_442 = arith.constant 0 : i32
      %dma_start3A_443 = tpu.memref_slice %arg4[%add3A_428, %dma_start3A_441, %dma_start3A_442] : memref<4096x200x128xf32, #tpu.memory_space<hbm>> -> memref<1x128x64xf32, #tpu.memory_space<hbm>>
      %dma_start3A_444 = tpu.memref_squeeze %dma_start3A_443 : memref<1x128x64xf32, #tpu.memory_space<hbm>> -> memref<128x64xf32, #tpu.memory_space<hbm>>
      %dma_start3A_445 = arith.constant 0 : i32
      %dma_start3A_446 = arith.constant 0 : i32
      %dma_start3A_447 = tpu.memref_slice %arg6[%dma_start3A_429, %dma_start3A_445, %dma_start3A_446] : memref<8x128x64xf32, #tpu.memory_space<vmem>> -> memref<1x128x64xf32, #tpu.memory_space<vmem>>
      %dma_start3A_448 = tpu.memref_squeeze %dma_start3A_447 : memref<1x128x64xf32, #tpu.memory_space<vmem>> -> memref<128x64xf32, #tpu.memory_space<vmem>>
      tpu.enqueue_dma source(%dma_start3A_448 : memref<128x64xf32, #tpu.memory_space<vmem>>) target(%dma_start3A_444 : memref<128x64xf32, #tpu.memory_space<hbm>>) target_semaphore(%dma_start3A_440 : memref<!tpu.dma_semaphore, #tpu.memory_space<semaphore_mem>>)
      %add3A_449 = arith.constant 4 : i32
      %add3A_450 = arith.addi %add3A_404, %add3A_449 : i32
      %lt3A_451 = arith.constant 256 : i32
      %lt3A_452 = arith.cmpi slt, %add3A_450, %lt3A_451 : i32
      %convert_element_type3A_453 = arith.extui %lt3A_452 : i1 to i32
      %cond3A_454 = arith.constant 0 : i32
      %cond3A_455 = arith.cmpi ne, %convert_element_type3A_453, %cond3A_454 : i32
      scf.if %cond3A_455 {
        %ge3A = arith.constant 8 : i32
        %ge3A_721 = arith.cmpi sge, %add3A_450, %ge3A : i32
        %convert_element_type3A_722 = arith.extui %ge3A_721 : i1 to i32
        %cond3A_723 = arith.constant 0 : i32
        %cond3A_724 = arith.cmpi ne, %convert_element_type3A_722, %cond3A_723 : i32
        scf.if %cond3A_724 {
          %sub3A = arith.constant 8 : i32
          %sub3A_744 = arith.subi %add3A_450, %sub3A : i32
          %div3A_745 = arith.constant 2 : i32
          %div3A_746 = arith.divsi %sub3A_744, %div3A_745 : i32
          %mul3A_747 = arith.constant 128 : i32
          %mul3A_748 = arith.muli %add3A, %mul3A_747 : i32
          %add3A_749 = arith.addi %mul3A_748, %div3A_746 : i32
          %dma_wait3A_750 = arith.constant 6 : i32
          %dma_wait3A_751 = arith.constant 6 : i32
          %dma_wait3A_752 = arith.constant 0 : i32
          %dma_wait3A_753 = arith.constant 0 : i32
          %dma_wait3A_754 = tpu.memref_slice %arg6[%dma_wait3A_750, %dma_wait3A_752, %dma_wait3A_753] : memref<8x128x64xf32, #tpu.memory_space<vmem>> -> memref<1x128x64xf32, #tpu.memory_space<vmem>>
          %dma_wait3A_755 = tpu.memref_squeeze %dma_wait3A_754 : memref<1x128x64xf32, #tpu.memory_space<vmem>> -> memref<128x64xf32, #tpu.memory_space<vmem>>
          %dma_wait3A_756 = arith.constant 0 : i32
          %dma_wait3A_757 = arith.constant 0 : i32
          %dma_wait3A_758 = tpu.memref_slice %arg4[%add3A_749, %dma_wait3A_756, %dma_wait3A_757] : memref<4096x200x128xf32, #tpu.memory_space<hbm>> -> memref<1x128x64xf32, #tpu.memory_space<hbm>>
          %dma_wait3A_759 = tpu.memref_squeeze %dma_wait3A_758 : memref<1x128x64xf32, #tpu.memory_space<hbm>> -> memref<128x64xf32, #tpu.memory_space<hbm>>
          %dma_wait3A_760 = tpu.memref_slice %arg9[%dma_wait3A_751] : memref<8x!tpu.dma_semaphore, #tpu.memory_space<semaphore_mem>> -> memref<1x!tpu.dma_semaphore, #tpu.memory_space<semaphore_mem>>
          %dma_wait3A_761 = tpu.memref_squeeze %dma_wait3A_760 : memref<1x!tpu.dma_semaphore, #tpu.memory_space<semaphore_mem>> -> memref<!tpu.dma_semaphore, #tpu.memory_space<semaphore_mem>>
          %dma_wait3A_762 = arith.constant 0 : i32
          %dma_wait3A_763 = arith.constant 0 : i32
          %dma_wait3A_764 = tpu.memref_slice %arg4[%add3A_749, %dma_wait3A_762, %dma_wait3A_763] : memref<4096x200x128xf32, #tpu.memory_space<hbm>> -> memref<1x128x64xf32, #tpu.memory_space<hbm>>
          %dma_wait3A_765 = tpu.memref_squeeze %dma_wait3A_764 : memref<1x128x64xf32, #tpu.memory_space<hbm>> -> memref<128x64xf32, #tpu.memory_space<hbm>>
          %dma_wait3A_766 = arith.constant 0 : i32
          %dma_wait3A_767 = arith.constant 0 : i32
          %dma_wait3A_768 = tpu.memref_slice %arg6[%dma_wait3A_750, %dma_wait3A_766, %dma_wait3A_767] : memref<8x128x64xf32, #tpu.memory_space<vmem>> -> memref<1x128x64xf32, #tpu.memory_space<vmem>>
          %dma_wait3A_769 = tpu.memref_squeeze %dma_wait3A_768 : memref<1x128x64xf32, #tpu.memory_space<vmem>> -> memref<128x64xf32, #tpu.memory_space<vmem>>
          tpu.wait_dma2 semaphore(%dma_wait3A_761 : memref<!tpu.dma_semaphore, #tpu.memory_space<semaphore_mem>>) src(%dma_wait3A_769 : memref<128x64xf32, #tpu.memory_space<vmem>>) dst(%dma_wait3A_765 : memref<128x64xf32, #tpu.memory_space<hbm>>)
        } else {
        }
        %div3A_725 = arith.constant 2 : i32
        %div3A_726 = arith.divsi %add3A_450, %div3A_725 : i32
        %mul3A_727 = arith.constant 128 : i32
        %mul3A_728 = arith.muli %add3A, %mul3A_727 : i32
        %add3A_729 = arith.addi %mul3A_728, %div3A_726 : i32
        %dma_start3A_730 = arith.constant 6 : i32
        %dma_start3A_731 = arith.constant 6 : i32
        %dma_start3A_732 = arith.constant 0 : i32
        %dma_start3A_733 = arith.constant 0 : i32
        %dma_start3A_734 = tpu.memref_slice %arg6[%dma_start3A_730, %dma_start3A_732, %dma_start3A_733] : memref<8x128x64xf32, #tpu.memory_space<vmem>> -> memref<1x128x64xf32, #tpu.memory_space<vmem>>
        %dma_start3A_735 = tpu.memref_squeeze %dma_start3A_734 : memref<1x128x64xf32, #tpu.memory_space<vmem>> -> memref<128x64xf32, #tpu.memory_space<vmem>>
        %dma_start3A_736 = arith.constant 0 : i32
        %dma_start3A_737 = tpu.memref_slice %arg5[%div3A_726, %dma_start3A_736] : memref<128x256xi32, #tpu.memory_space<vmem>> -> memref<1x128xi32, #tpu.memory_space<vmem>>
        %dma_start3A_738 = tpu.memref_squeeze %dma_start3A_737 : memref<1x128xi32, #tpu.memory_space<vmem>> -> memref<128xi32, #tpu.memory_space<vmem>>
        %dma_start3A_739 = arith.constant 0 : i32
        %dma_start3A_740 = arith.constant 0 : i32
        %dma_start3A_741 = tpu.memref_slice %arg7[%dma_start3A_739, %dma_start3A_740] : memref<1024x64xf32, #tpu.memory_space<vmem_shared>> -> memref<1024x64xf32, #tpu.memory_space<vmem_shared>>
        %dma_start3A_742 = tpu.memref_slice %arg8[%dma_start3A_731] : memref<8x!tpu.dma_semaphore, #tpu.memory_space<semaphore_mem>> -> memref<1x!tpu.dma_semaphore, #tpu.memory_space<semaphore_mem>>
        %dma_start3A_743 = tpu.memref_squeeze %dma_start3A_742 : memref<1x!tpu.dma_semaphore, #tpu.memory_space<semaphore_mem>> -> memref<!tpu.dma_semaphore, #tpu.memory_space<semaphore_mem>>
        tpu.enqueue_indirect_dma source(%dma_start3A_741 : memref<1024x64xf32, #tpu.memory_space<vmem_shared>>) target(%dma_start3A_735 : memref<128x64xf32, #tpu.memory_space<vmem>>) offsets(%dma_start3A_738 : memref<128xi32, #tpu.memory_space<vmem>>) semaphore(%dma_start3A_743 : memref<!tpu.dma_semaphore, #tpu.memory_space<semaphore_mem>>)
      } else {
      }
      %add3A_456 = arith.constant 3 : i32
      %add3A_457 = arith.addi %mul3A_297, %add3A_456 : i32
      %div3A_458 = arith.constant 2 : i32
      %div3A_459 = arith.divsi %add3A_457, %div3A_458 : i32
      %mul3A_460 = arith.constant 128 : i32
      %mul3A_461 = arith.muli %add3A, %mul3A_460 : i32
      %add3A_462 = arith.addi %mul3A_461, %div3A_459 : i32
      %dma_wait3A_463 = arith.constant 3 : i32
      %dma_wait3A_464 = arith.constant 3 : i32
      %dma_wait3A_465 = arith.constant 0 : i32
      %dma_wait3A_466 = arith.constant 0 : i32
      %dma_wait3A_467 = tpu.memref_slice %arg6[%dma_wait3A_463, %dma_wait3A_465, %dma_wait3A_466] : memref<8x128x64xf32, #tpu.memory_space<vmem>> -> memref<1x72x64xf32, #tpu.memory_space<vmem>>
      %dma_wait3A_468 = tpu.memref_squeeze %dma_wait3A_467 : memref<1x72x64xf32, #tpu.memory_space<vmem>> -> memref<72x64xf32, #tpu.memory_space<vmem>>
      %dma_wait3A_469 = arith.constant 128 : i32
      %dma_wait3A_470 = tpu.memref_slice %arg5[%div3A_459, %dma_wait3A_469] : memref<128x256xi32, #tpu.memory_space<vmem>> -> memref<1x72xi32, #tpu.memory_space<vmem>>
      %dma_wait3A_471 = tpu.memref_squeeze %dma_wait3A_470 : memref<1x72xi32, #tpu.memory_space<vmem>> -> memref<72xi32, #tpu.memory_space<vmem>>
      %dma_wait3A_472 = arith.constant 0 : i32
      %dma_wait3A_473 = arith.constant 0 : i32
      %dma_wait3A_474 = tpu.memref_slice %arg7[%dma_wait3A_472, %dma_wait3A_473] : memref<1024x64xf32, #tpu.memory_space<vmem_shared>> -> memref<1024x64xf32, #tpu.memory_space<vmem_shared>>
      %dma_wait3A_475 = tpu.memref_slice %arg8[%dma_wait3A_464] : memref<8x!tpu.dma_semaphore, #tpu.memory_space<semaphore_mem>> -> memref<1x!tpu.dma_semaphore, #tpu.memory_space<semaphore_mem>>
      %dma_wait3A_476 = tpu.memref_squeeze %dma_wait3A_475 : memref<1x!tpu.dma_semaphore, #tpu.memory_space<semaphore_mem>> -> memref<!tpu.dma_semaphore, #tpu.memory_space<semaphore_mem>>
      tpu.wait_indirect_dma semaphore(%dma_wait3A_476 : memref<!tpu.dma_semaphore, #tpu.memory_space<semaphore_mem>>) src(%dma_wait3A_474 : memref<1024x64xf32, #tpu.memory_space<vmem_shared>>) dst(%dma_wait3A_468 : memref<72x64xf32, #tpu.memory_space<vmem>>)
      %div3A_477 = arith.constant 2 : i32
      %div3A_478 = arith.divsi %add3A_457, %div3A_477 : i32
      %mul3A_479 = arith.constant 128 : i32
      %mul3A_480 = arith.muli %add3A, %mul3A_479 : i32
      %add3A_481 = arith.addi %mul3A_480, %div3A_478 : i32
      %dma_start3A_482 = arith.constant 3 : i32
      %dma_start3A_483 = arith.constant 3 : i32
      %dma_start3A_484 = arith.constant 0 : i32
      %dma_start3A_485 = arith.constant 0 : i32
      %dma_start3A_486 = tpu.memref_slice %arg6[%dma_start3A_482, %dma_start3A_484, %dma_start3A_485] : memref<8x128x64xf32, #tpu.memory_space<vmem>> -> memref<1x72x64xf32, #tpu.memory_space<vmem>>
      %dma_start3A_487 = tpu.memref_squeeze %dma_start3A_486 : memref<1x72x64xf32, #tpu.memory_space<vmem>> -> memref<72x64xf32, #tpu.memory_space<vmem>>
      %dma_start3A_488 = arith.constant 128 : i32
      %dma_start3A_489 = arith.constant 0 : i32
      %dma_start3A_490 = tpu.memref_slice %arg4[%add3A_481, %dma_start3A_488, %dma_start3A_489] : memref<4096x200x128xf32, #tpu.memory_space<hbm>> -> memref<1x72x64xf32, #tpu.memory_space<hbm>>
      %dma_start3A_491 = tpu.memref_squeeze %dma_start3A_490 : memref<1x72x64xf32, #tpu.memory_space<hbm>> -> memref<72x64xf32, #tpu.memory_space<hbm>>
      %dma_start3A_492 = tpu.memref_slice %arg9[%dma_start3A_483] : memref<8x!tpu.dma_semaphore, #tpu.memory_space<semaphore_mem>> -> memref<1x!tpu.dma_semaphore, #tpu.memory_space<semaphore_mem>>
      %dma_start3A_493 = tpu.memref_squeeze %dma_start3A_492 : memref<1x!tpu.dma_semaphore, #tpu.memory_space<semaphore_mem>> -> memref<!tpu.dma_semaphore, #tpu.memory_space<semaphore_mem>>
      %dma_start3A_494 = arith.constant 128 : i32
      %dma_start3A_495 = arith.constant 0 : i32
      %dma_start3A_496 = tpu.memref_slice %arg4[%add3A_481, %dma_start3A_494, %dma_start3A_495] : memref<4096x200x128xf32, #tpu.memory_space<hbm>> -> memref<1x72x64xf32, #tpu.memory_space<hbm>>
      %dma_start3A_497 = tpu.memref_squeeze %dma_start3A_496 : memref<1x72x64xf32, #tpu.memory_space<hbm>> -> memref<72x64xf32, #tpu.memory_space<hbm>>
      %dma_start3A_498 = arith.constant 0 : i32
      %dma_start3A_499 = arith.constant 0 : i32
      %dma_start3A_500 = tpu.memref_slice %arg6[%dma_start3A_482, %dma_start3A_498, %dma_start3A_499] : memref<8x128x64xf32, #tpu.memory_space<vmem>> -> memref<1x72x64xf32, #tpu.memory_space<vmem>>
      %dma_start3A_501 = tpu.memref_squeeze %dma_start3A_500 : memref<1x72x64xf32, #tpu.memory_space<vmem>> -> memref<72x64xf32, #tpu.memory_space<vmem>>
      tpu.enqueue_dma source(%dma_start3A_501 : memref<72x64xf32, #tpu.memory_space<vmem>>) target(%dma_start3A_497 : memref<72x64xf32, #tpu.memory_space<hbm>>) target_semaphore(%dma_start3A_493 : memref<!tpu.dma_semaphore, #tpu.memory_space<semaphore_mem>>)
      %add3A_502 = arith.constant 4 : i32
      %add3A_503 = arith.addi %add3A_457, %add3A_502 : i32
      %lt3A_504 = arith.constant 256 : i32
      %lt3A_505 = arith.cmpi slt, %add3A_503, %lt3A_504 : i32
      %convert_element_type3A_506 = arith.extui %lt3A_505 : i1 to i32
      %cond3A_507 = arith.constant 0 : i32
      %cond3A_508 = arith.cmpi ne, %convert_element_type3A_506, %cond3A_507 : i32
      scf.if %cond3A_508 {
        %ge3A = arith.constant 8 : i32
        %ge3A_721 = arith.cmpi sge, %add3A_503, %ge3A : i32
        %convert_element_type3A_722 = arith.extui %ge3A_721 : i1 to i32
        %cond3A_723 = arith.constant 0 : i32
        %cond3A_724 = arith.cmpi ne, %convert_element_type3A_722, %cond3A_723 : i32
        scf.if %cond3A_724 {
          %sub3A = arith.constant 8 : i32
          %sub3A_744 = arith.subi %add3A_503, %sub3A : i32
          %div3A_745 = arith.constant 2 : i32
          %div3A_746 = arith.divsi %sub3A_744, %div3A_745 : i32
          %mul3A_747 = arith.constant 128 : i32
          %mul3A_748 = arith.muli %add3A, %mul3A_747 : i32
          %add3A_749 = arith.addi %mul3A_748, %div3A_746 : i32
          %dma_wait3A_750 = arith.constant 7 : i32
          %dma_wait3A_751 = arith.constant 7 : i32
          %dma_wait3A_752 = arith.constant 0 : i32
          %dma_wait3A_753 = arith.constant 0 : i32
          %dma_wait3A_754 = tpu.memref_slice %arg6[%dma_wait3A_750, %dma_wait3A_752, %dma_wait3A_753] : memref<8x128x64xf32, #tpu.memory_space<vmem>> -> memref<1x72x64xf32, #tpu.memory_space<vmem>>
          %dma_wait3A_755 = tpu.memref_squeeze %dma_wait3A_754 : memref<1x72x64xf32, #tpu.memory_space<vmem>> -> memref<72x64xf32, #tpu.memory_space<vmem>>
          %dma_wait3A_756 = arith.constant 128 : i32
          %dma_wait3A_757 = arith.constant 0 : i32
          %dma_wait3A_758 = tpu.memref_slice %arg4[%add3A_749, %dma_wait3A_756, %dma_wait3A_757] : memref<4096x200x128xf32, #tpu.memory_space<hbm>> -> memref<1x72x64xf32, #tpu.memory_space<hbm>>
          %dma_wait3A_759 = tpu.memref_squeeze %dma_wait3A_758 : memref<1x72x64xf32, #tpu.memory_space<hbm>> -> memref<72x64xf32, #tpu.memory_space<hbm>>
          %dma_wait3A_760 = tpu.memref_slice %arg9[%dma_wait3A_751] : memref<8x!tpu.dma_semaphore, #tpu.memory_space<semaphore_mem>> -> memref<1x!tpu.dma_semaphore, #tpu.memory_space<semaphore_mem>>
          %dma_wait3A_761 = tpu.memref_squeeze %dma_wait3A_760 : memref<1x!tpu.dma_semaphore, #tpu.memory_space<semaphore_mem>> -> memref<!tpu.dma_semaphore, #tpu.memory_space<semaphore_mem>>
          %dma_wait3A_762 = arith.constant 128 : i32
          %dma_wait3A_763 = arith.constant 0 : i32
          %dma_wait3A_764 = tpu.memref_slice %arg4[%add3A_749, %dma_wait3A_762, %dma_wait3A_763] : memref<4096x200x128xf32, #tpu.memory_space<hbm>> -> memref<1x72x64xf32, #tpu.memory_space<hbm>>
          %dma_wait3A_765 = tpu.memref_squeeze %dma_wait3A_764 : memref<1x72x64xf32, #tpu.memory_space<hbm>> -> memref<72x64xf32, #tpu.memory_space<hbm>>
          %dma_wait3A_766 = arith.constant 0 : i32
          %dma_wait3A_767 = arith.constant 0 : i32
          %dma_wait3A_768 = tpu.memref_slice %arg6[%dma_wait3A_750, %dma_wait3A_766, %dma_wait3A_767] : memref<8x128x64xf32, #tpu.memory_space<vmem>> -> memref<1x72x64xf32, #tpu.memory_space<vmem>>
          %dma_wait3A_769 = tpu.memref_squeeze %dma_wait3A_768 : memref<1x72x64xf32, #tpu.memory_space<vmem>> -> memref<72x64xf32, #tpu.memory_space<vmem>>
          tpu.wait_dma2 semaphore(%dma_wait3A_761 : memref<!tpu.dma_semaphore, #tpu.memory_space<semaphore_mem>>) src(%dma_wait3A_769 : memref<72x64xf32, #tpu.memory_space<vmem>>) dst(%dma_wait3A_765 : memref<72x64xf32, #tpu.memory_space<hbm>>)
        } else {
        }
        %div3A_725 = arith.constant 2 : i32
        %div3A_726 = arith.divsi %add3A_503, %div3A_725 : i32
        %mul3A_727 = arith.constant 128 : i32
        %mul3A_728 = arith.muli %add3A, %mul3A_727 : i32
        %add3A_729 = arith.addi %mul3A_728, %div3A_726 : i32
        %dma_start3A_730 = arith.constant 7 : i32
        %dma_start3A_731 = arith.constant 7 : i32
        %dma_start3A_732 = arith.constant 0 : i32
        %dma_start3A_733 = arith.constant 0 : i32
        %dma_start3A_734 = tpu.memref_slice %arg6[%dma_start3A_730, %dma_start3A_732, %dma_start3A_733] : memref<8x128x64xf32, #tpu.memory_space<vmem>> -> memref<1x72x64xf32, #tpu.memory_space<vmem>>
        %dma_start3A_735 = tpu.memref_squeeze %dma_start3A_734 : memref<1x72x64xf32, #tpu.memory_space<vmem>> -> memref<72x64xf32, #tpu.memory_space<vmem>>
        %dma_start3A_736 = arith.constant 128 : i32
        %dma_start3A_737 = tpu.memref_slice %arg5[%div3A_726, %dma_start3A_736] : memref<128x256xi32, #tpu.memory_space<vmem>> -> memref<1x72xi32, #tpu.memory_space<vmem>>
        %dma_start3A_738 = tpu.memref_squeeze %dma_start3A_737 : memref<1x72xi32, #tpu.memory_space<vmem>> -> memref<72xi32, #tpu.memory_space<vmem>>
        %dma_start3A_739 = arith.constant 0 : i32
        %dma_start3A_740 = arith.constant 0 : i32
        %dma_start3A_741 = tpu.memref_slice %arg7[%dma_start3A_739, %dma_start3A_740] : memref<1024x64xf32, #tpu.memory_space<vmem_shared>> -> memref<1024x64xf32, #tpu.memory_space<vmem_shared>>
        %dma_start3A_742 = tpu.memref_slice %arg8[%dma_start3A_731] : memref<8x!tpu.dma_semaphore, #tpu.memory_space<semaphore_mem>> -> memref<1x!tpu.dma_semaphore, #tpu.memory_space<semaphore_mem>>
        %dma_start3A_743 = tpu.memref_squeeze %dma_start3A_742 : memref<1x!tpu.dma_semaphore, #tpu.memory_space<semaphore_mem>> -> memref<!tpu.dma_semaphore, #tpu.memory_space<semaphore_mem>>
        tpu.enqueue_indirect_dma source(%dma_start3A_741 : memref<1024x64xf32, #tpu.memory_space<vmem_shared>>) target(%dma_start3A_735 : memref<72x64xf32, #tpu.memory_space<vmem>>) offsets(%dma_start3A_738 : memref<72xi32, #tpu.memory_space<vmem>>) semaphore(%dma_start3A_743 : memref<!tpu.dma_semaphore, #tpu.memory_space<semaphore_mem>>)
      } else {
      }
      %add3A_509 = arith.constant 4 : i32
      %add3A_510 = arith.addi %mul3A_297, %add3A_509 : i32
      %div3A_511 = arith.constant 2 : i32
      %div3A_512 = arith.divsi %add3A_510, %div3A_511 : i32
      %mul3A_513 = arith.constant 128 : i32
      %mul3A_514 = arith.muli %add3A, %mul3A_513 : i32
      %add3A_515 = arith.addi %mul3A_514, %div3A_512 : i32
      %dma_wait3A_516 = arith.constant 4 : i32
      %dma_wait3A_517 = arith.constant 4 : i32
      %dma_wait3A_518 = arith.constant 0 : i32
      %dma_wait3A_519 = arith.constant 0 : i32
      %dma_wait3A_520 = tpu.memref_slice %arg6[%dma_wait3A_516, %dma_wait3A_518, %dma_wait3A_519] : memref<8x128x64xf32, #tpu.memory_space<vmem>> -> memref<1x128x64xf32, #tpu.memory_space<vmem>>
      %dma_wait3A_521 = tpu.memref_squeeze %dma_wait3A_520 : memref<1x128x64xf32, #tpu.memory_space<vmem>> -> memref<128x64xf32, #tpu.memory_space<vmem>>
      %dma_wait3A_522 = arith.constant 0 : i32
      %dma_wait3A_523 = tpu.memref_slice %arg5[%div3A_512, %dma_wait3A_522] : memref<128x256xi32, #tpu.memory_space<vmem>> -> memref<1x128xi32, #tpu.memory_space<vmem>>
      %dma_wait3A_524 = tpu.memref_squeeze %dma_wait3A_523 : memref<1x128xi32, #tpu.memory_space<vmem>> -> memref<128xi32, #tpu.memory_space<vmem>>
      %dma_wait3A_525 = arith.constant 0 : i32
      %dma_wait3A_526 = arith.constant 0 : i32
      %dma_wait3A_527 = tpu.memref_slice %arg7[%dma_wait3A_525, %dma_wait3A_526] : memref<1024x64xf32, #tpu.memory_space<vmem_shared>> -> memref<1024x64xf32, #tpu.memory_space<vmem_shared>>
      %dma_wait3A_528 = tpu.memref_slice %arg8[%dma_wait3A_517] : memref<8x!tpu.dma_semaphore, #tpu.memory_space<semaphore_mem>> -> memref<1x!tpu.dma_semaphore, #tpu.memory_space<semaphore_mem>>
      %dma_wait3A_529 = tpu.memref_squeeze %dma_wait3A_528 : memref<1x!tpu.dma_semaphore, #tpu.memory_space<semaphore_mem>> -> memref<!tpu.dma_semaphore, #tpu.memory_space<semaphore_mem>>
      tpu.wait_indirect_dma semaphore(%dma_wait3A_529 : memref<!tpu.dma_semaphore, #tpu.memory_space<semaphore_mem>>) src(%dma_wait3A_527 : memref<1024x64xf32, #tpu.memory_space<vmem_shared>>) dst(%dma_wait3A_521 : memref<128x64xf32, #tpu.memory_space<vmem>>)
      %div3A_530 = arith.constant 2 : i32
      %div3A_531 = arith.divsi %add3A_510, %div3A_530 : i32
      %mul3A_532 = arith.constant 128 : i32
      %mul3A_533 = arith.muli %add3A, %mul3A_532 : i32
      %add3A_534 = arith.addi %mul3A_533, %div3A_531 : i32
      %dma_start3A_535 = arith.constant 4 : i32
      %dma_start3A_536 = arith.constant 4 : i32
      %dma_start3A_537 = arith.constant 0 : i32
      %dma_start3A_538 = arith.constant 0 : i32
      %dma_start3A_539 = tpu.memref_slice %arg6[%dma_start3A_535, %dma_start3A_537, %dma_start3A_538] : memref<8x128x64xf32, #tpu.memory_space<vmem>> -> memref<1x128x64xf32, #tpu.memory_space<vmem>>
      %dma_start3A_540 = tpu.memref_squeeze %dma_start3A_539 : memref<1x128x64xf32, #tpu.memory_space<vmem>> -> memref<128x64xf32, #tpu.memory_space<vmem>>
      %dma_start3A_541 = arith.constant 0 : i32
      %dma_start3A_542 = arith.constant 0 : i32
      %dma_start3A_543 = tpu.memref_slice %arg4[%add3A_534, %dma_start3A_541, %dma_start3A_542] : memref<4096x200x128xf32, #tpu.memory_space<hbm>> -> memref<1x128x64xf32, #tpu.memory_space<hbm>>
      %dma_start3A_544 = tpu.memref_squeeze %dma_start3A_543 : memref<1x128x64xf32, #tpu.memory_space<hbm>> -> memref<128x64xf32, #tpu.memory_space<hbm>>
      %dma_start3A_545 = tpu.memref_slice %arg9[%dma_start3A_536] : memref<8x!tpu.dma_semaphore, #tpu.memory_space<semaphore_mem>> -> memref<1x!tpu.dma_semaphore, #tpu.memory_space<semaphore_mem>>
      %dma_start3A_546 = tpu.memref_squeeze %dma_start3A_545 : memref<1x!tpu.dma_semaphore, #tpu.memory_space<semaphore_mem>> -> memref<!tpu.dma_semaphore, #tpu.memory_space<semaphore_mem>>
      %dma_start3A_547 = arith.constant 0 : i32
      %dma_start3A_548 = arith.constant 0 : i32
      %dma_start3A_549 = tpu.memref_slice %arg4[%add3A_534, %dma_start3A_547, %dma_start3A_548] : memref<4096x200x128xf32, #tpu.memory_space<hbm>> -> memref<1x128x64xf32, #tpu.memory_space<hbm>>
      %dma_start3A_550 = tpu.memref_squeeze %dma_start3A_549 : memref<1x128x64xf32, #tpu.memory_space<hbm>> -> memref<128x64xf32, #tpu.memory_space<hbm>>
      %dma_start3A_551 = arith.constant 0 : i32
      %dma_start3A_552 = arith.constant 0 : i32
      %dma_start3A_553 = tpu.memref_slice %arg6[%dma_start3A_535, %dma_start3A_551, %dma_start3A_552] : memref<8x128x64xf32, #tpu.memory_space<vmem>> -> memref<1x128x64xf32, #tpu.memory_space<vmem>>
      %dma_start3A_554 = tpu.memref_squeeze %dma_start3A_553 : memref<1x128x64xf32, #tpu.memory_space<vmem>> -> memref<128x64xf32, #tpu.memory_space<vmem>>
      tpu.enqueue_dma source(%dma_start3A_554 : memref<128x64xf32, #tpu.memory_space<vmem>>) target(%dma_start3A_550 : memref<128x64xf32, #tpu.memory_space<hbm>>) target_semaphore(%dma_start3A_546 : memref<!tpu.dma_semaphore, #tpu.memory_space<semaphore_mem>>)
      %add3A_555 = arith.constant 4 : i32
      %add3A_556 = arith.addi %add3A_510, %add3A_555 : i32
      %lt3A_557 = arith.constant 256 : i32
      %lt3A_558 = arith.cmpi slt, %add3A_556, %lt3A_557 : i32
      %convert_element_type3A_559 = arith.extui %lt3A_558 : i1 to i32
      %cond3A_560 = arith.constant 0 : i32
      %cond3A_561 = arith.cmpi ne, %convert_element_type3A_559, %cond3A_560 : i32
      scf.if %cond3A_561 {
        %ge3A = arith.constant 8 : i32
        %ge3A_721 = arith.cmpi sge, %add3A_556, %ge3A : i32
        %convert_element_type3A_722 = arith.extui %ge3A_721 : i1 to i32
        %cond3A_723 = arith.constant 0 : i32
        %cond3A_724 = arith.cmpi ne, %convert_element_type3A_722, %cond3A_723 : i32
        scf.if %cond3A_724 {
          %sub3A = arith.constant 8 : i32
          %sub3A_744 = arith.subi %add3A_556, %sub3A : i32
          %div3A_745 = arith.constant 2 : i32
          %div3A_746 = arith.divsi %sub3A_744, %div3A_745 : i32
          %mul3A_747 = arith.constant 128 : i32
          %mul3A_748 = arith.muli %add3A, %mul3A_747 : i32
          %add3A_749 = arith.addi %mul3A_748, %div3A_746 : i32
          %dma_wait3A_750 = arith.constant 0 : i32
          %dma_wait3A_751 = arith.constant 0 : i32
          %dma_wait3A_752 = arith.constant 0 : i32
          %dma_wait3A_753 = arith.constant 0 : i32
          %dma_wait3A_754 = tpu.memref_slice %arg6[%dma_wait3A_750, %dma_wait3A_752, %dma_wait3A_753] : memref<8x128x64xf32, #tpu.memory_space<vmem>> -> memref<1x128x64xf32, #tpu.memory_space<vmem>>
          %dma_wait3A_755 = tpu.memref_squeeze %dma_wait3A_754 : memref<1x128x64xf32, #tpu.memory_space<vmem>> -> memref<128x64xf32, #tpu.memory_space<vmem>>
          %dma_wait3A_756 = arith.constant 0 : i32
          %dma_wait3A_757 = arith.constant 0 : i32
          %dma_wait3A_758 = tpu.memref_slice %arg4[%add3A_749, %dma_wait3A_756, %dma_wait3A_757] : memref<4096x200x128xf32, #tpu.memory_space<hbm>> -> memref<1x128x64xf32, #tpu.memory_space<hbm>>
          %dma_wait3A_759 = tpu.memref_squeeze %dma_wait3A_758 : memref<1x128x64xf32, #tpu.memory_space<hbm>> -> memref<128x64xf32, #tpu.memory_space<hbm>>
          %dma_wait3A_760 = tpu.memref_slice %arg9[%dma_wait3A_751] : memref<8x!tpu.dma_semaphore, #tpu.memory_space<semaphore_mem>> -> memref<1x!tpu.dma_semaphore, #tpu.memory_space<semaphore_mem>>
          %dma_wait3A_761 = tpu.memref_squeeze %dma_wait3A_760 : memref<1x!tpu.dma_semaphore, #tpu.memory_space<semaphore_mem>> -> memref<!tpu.dma_semaphore, #tpu.memory_space<semaphore_mem>>
          %dma_wait3A_762 = arith.constant 0 : i32
          %dma_wait3A_763 = arith.constant 0 : i32
          %dma_wait3A_764 = tpu.memref_slice %arg4[%add3A_749, %dma_wait3A_762, %dma_wait3A_763] : memref<4096x200x128xf32, #tpu.memory_space<hbm>> -> memref<1x128x64xf32, #tpu.memory_space<hbm>>
          %dma_wait3A_765 = tpu.memref_squeeze %dma_wait3A_764 : memref<1x128x64xf32, #tpu.memory_space<hbm>> -> memref<128x64xf32, #tpu.memory_space<hbm>>
          %dma_wait3A_766 = arith.constant 0 : i32
          %dma_wait3A_767 = arith.constant 0 : i32
          %dma_wait3A_768 = tpu.memref_slice %arg6[%dma_wait3A_750, %dma_wait3A_766, %dma_wait3A_767] : memref<8x128x64xf32, #tpu.memory_space<vmem>> -> memref<1x128x64xf32, #tpu.memory_space<vmem>>
          %dma_wait3A_769 = tpu.memref_squeeze %dma_wait3A_768 : memref<1x128x64xf32, #tpu.memory_space<vmem>> -> memref<128x64xf32, #tpu.memory_space<vmem>>
          tpu.wait_dma2 semaphore(%dma_wait3A_761 : memref<!tpu.dma_semaphore, #tpu.memory_space<semaphore_mem>>) src(%dma_wait3A_769 : memref<128x64xf32, #tpu.memory_space<vmem>>) dst(%dma_wait3A_765 : memref<128x64xf32, #tpu.memory_space<hbm>>)
        } else {
        }
        %div3A_725 = arith.constant 2 : i32
        %div3A_726 = arith.divsi %add3A_556, %div3A_725 : i32
        %mul3A_727 = arith.constant 128 : i32
        %mul3A_728 = arith.muli %add3A, %mul3A_727 : i32
        %add3A_729 = arith.addi %mul3A_728, %div3A_726 : i32
        %dma_start3A_730 = arith.constant 0 : i32
        %dma_start3A_731 = arith.constant 0 : i32
        %dma_start3A_732 = arith.constant 0 : i32
        %dma_start3A_733 = arith.constant 0 : i32
        %dma_start3A_734 = tpu.memref_slice %arg6[%dma_start3A_730, %dma_start3A_732, %dma_start3A_733] : memref<8x128x64xf32, #tpu.memory_space<vmem>> -> memref<1x128x64xf32, #tpu.memory_space<vmem>>
        %dma_start3A_735 = tpu.memref_squeeze %dma_start3A_734 : memref<1x128x64xf32, #tpu.memory_space<vmem>> -> memref<128x64xf32, #tpu.memory_space<vmem>>
        %dma_start3A_736 = arith.constant 0 : i32
        %dma_start3A_737 = tpu.memref_slice %arg5[%div3A_726, %dma_start3A_736] : memref<128x256xi32, #tpu.memory_space<vmem>> -> memref<1x128xi32, #tpu.memory_space<vmem>>
        %dma_start3A_738 = tpu.memref_squeeze %dma_start3A_737 : memref<1x128xi32, #tpu.memory_space<vmem>> -> memref<128xi32, #tpu.memory_space<vmem>>
        %dma_start3A_739 = arith.constant 0 : i32
        %dma_start3A_740 = arith.constant 0 : i32
        %dma_start3A_741 = tpu.memref_slice %arg7[%dma_start3A_739, %dma_start3A_740] : memref<1024x64xf32, #tpu.memory_space<vmem_shared>> -> memref<1024x64xf32, #tpu.memory_space<vmem_shared>>
        %dma_start3A_742 = tpu.memref_slice %arg8[%dma_start3A_731] : memref<8x!tpu.dma_semaphore, #tpu.memory_space<semaphore_mem>> -> memref<1x!tpu.dma_semaphore, #tpu.memory_space<semaphore_mem>>
        %dma_start3A_743 = tpu.memref_squeeze %dma_start3A_742 : memref<1x!tpu.dma_semaphore, #tpu.memory_space<semaphore_mem>> -> memref<!tpu.dma_semaphore, #tpu.memory_space<semaphore_mem>>
        tpu.enqueue_indirect_dma source(%dma_start3A_741 : memref<1024x64xf32, #tpu.memory_space<vmem_shared>>) target(%dma_start3A_735 : memref<128x64xf32, #tpu.memory_space<vmem>>) offsets(%dma_start3A_738 : memref<128xi32, #tpu.memory_space<vmem>>) semaphore(%dma_start3A_743 : memref<!tpu.dma_semaphore, #tpu.memory_space<semaphore_mem>>)
      } else {
      }
      %add3A_562 = arith.constant 5 : i32
      %add3A_563 = arith.addi %mul3A_297, %add3A_562 : i32
      %div3A_564 = arith.constant 2 : i32
      %div3A_565 = arith.divsi %add3A_563, %div3A_564 : i32
      %mul3A_566 = arith.constant 128 : i32
      %mul3A_567 = arith.muli %add3A, %mul3A_566 : i32
      %add3A_568 = arith.addi %mul3A_567, %div3A_565 : i32
      %dma_wait3A_569 = arith.constant 5 : i32
      %dma_wait3A_570 = arith.constant 5 : i32
      %dma_wait3A_571 = arith.constant 0 : i32
      %dma_wait3A_572 = arith.constant 0 : i32
      %dma_wait3A_573 = tpu.memref_slice %arg6[%dma_wait3A_569, %dma_wait3A_571, %dma_wait3A_572] : memref<8x128x64xf32, #tpu.memory_space<vmem>> -> memref<1x72x64xf32, #tpu.memory_space<vmem>>
      %dma_wait3A_574 = tpu.memref_squeeze %dma_wait3A_573 : memref<1x72x64xf32, #tpu.memory_space<vmem>> -> memref<72x64xf32, #tpu.memory_space<vmem>>
      %dma_wait3A_575 = arith.constant 128 : i32
      %dma_wait3A_576 = tpu.memref_slice %arg5[%div3A_565, %dma_wait3A_575] : memref<128x256xi32, #tpu.memory_space<vmem>> -> memref<1x72xi32, #tpu.memory_space<vmem>>
      %dma_wait3A_577 = tpu.memref_squeeze %dma_wait3A_576 : memref<1x72xi32, #tpu.memory_space<vmem>> -> memref<72xi32, #tpu.memory_space<vmem>>
      %dma_wait3A_578 = arith.constant 0 : i32
      %dma_wait3A_579 = arith.constant 0 : i32
      %dma_wait3A_580 = tpu.memref_slice %arg7[%dma_wait3A_578, %dma_wait3A_579] : memref<1024x64xf32, #tpu.memory_space<vmem_shared>> -> memref<1024x64xf32, #tpu.memory_space<vmem_shared>>
      %dma_wait3A_581 = tpu.memref_slice %arg8[%dma_wait3A_570] : memref<8x!tpu.dma_semaphore, #tpu.memory_space<semaphore_mem>> -> memref<1x!tpu.dma_semaphore, #tpu.memory_space<semaphore_mem>>
      %dma_wait3A_582 = tpu.memref_squeeze %dma_wait3A_581 : memref<1x!tpu.dma_semaphore, #tpu.memory_space<semaphore_mem>> -> memref<!tpu.dma_semaphore, #tpu.memory_space<semaphore_mem>>
      tpu.wait_indirect_dma semaphore(%dma_wait3A_582 : memref<!tpu.dma_semaphore, #tpu.memory_space<semaphore_mem>>) src(%dma_wait3A_580 : memref<1024x64xf32, #tpu.memory_space<vmem_shared>>) dst(%dma_wait3A_574 : memref<72x64xf32, #tpu.memory_space<vmem>>)
      %div3A_583 = arith.constant 2 : i32
      %div3A_584 = arith.divsi %add3A_563, %div3A_583 : i32
      %mul3A_585 = arith.constant 128 : i32
      %mul3A_586 = arith.muli %add3A, %mul3A_585 : i32
      %add3A_587 = arith.addi %mul3A_586, %div3A_584 : i32
      %dma_start3A_588 = arith.constant 5 : i32
      %dma_start3A_589 = arith.constant 5 : i32
      %dma_start3A_590 = arith.constant 0 : i32
      %dma_start3A_591 = arith.constant 0 : i32
      %dma_start3A_592 = tpu.memref_slice %arg6[%dma_start3A_588, %dma_start3A_590, %dma_start3A_591] : memref<8x128x64xf32, #tpu.memory_space<vmem>> -> memref<1x72x64xf32, #tpu.memory_space<vmem>>
      %dma_start3A_593 = tpu.memref_squeeze %dma_start3A_592 : memref<1x72x64xf32, #tpu.memory_space<vmem>> -> memref<72x64xf32, #tpu.memory_space<vmem>>
      %dma_start3A_594 = arith.constant 128 : i32
      %dma_start3A_595 = arith.constant 0 : i32
      %dma_start3A_596 = tpu.memref_slice %arg4[%add3A_587, %dma_start3A_594, %dma_start3A_595] : memref<4096x200x128xf32, #tpu.memory_space<hbm>> -> memref<1x72x64xf32, #tpu.memory_space<hbm>>
      %dma_start3A_597 = tpu.memref_squeeze %dma_start3A_596 : memref<1x72x64xf32, #tpu.memory_space<hbm>> -> memref<72x64xf32, #tpu.memory_space<hbm>>
      %dma_start3A_598 = tpu.memref_slice %arg9[%dma_start3A_589] : memref<8x!tpu.dma_semaphore, #tpu.memory_space<semaphore_mem>> -> memref<1x!tpu.dma_semaphore, #tpu.memory_space<semaphore_mem>>
      %dma_start3A_599 = tpu.memref_squeeze %dma_start3A_598 : memref<1x!tpu.dma_semaphore, #tpu.memory_space<semaphore_mem>> -> memref<!tpu.dma_semaphore, #tpu.memory_space<semaphore_mem>>
      %dma_start3A_600 = arith.constant 128 : i32
      %dma_start3A_601 = arith.constant 0 : i32
      %dma_start3A_602 = tpu.memref_slice %arg4[%add3A_587, %dma_start3A_600, %dma_start3A_601] : memref<4096x200x128xf32, #tpu.memory_space<hbm>> -> memref<1x72x64xf32, #tpu.memory_space<hbm>>
      %dma_start3A_603 = tpu.memref_squeeze %dma_start3A_602 : memref<1x72x64xf32, #tpu.memory_space<hbm>> -> memref<72x64xf32, #tpu.memory_space<hbm>>
      %dma_start3A_604 = arith.constant 0 : i32
      %dma_start3A_605 = arith.constant 0 : i32
      %dma_start3A_606 = tpu.memref_slice %arg6[%dma_start3A_588, %dma_start3A_604, %dma_start3A_605] : memref<8x128x64xf32, #tpu.memory_space<vmem>> -> memref<1x72x64xf32, #tpu.memory_space<vmem>>
      %dma_start3A_607 = tpu.memref_squeeze %dma_start3A_606 : memref<1x72x64xf32, #tpu.memory_space<vmem>> -> memref<72x64xf32, #tpu.memory_space<vmem>>
      tpu.enqueue_dma source(%dma_start3A_607 : memref<72x64xf32, #tpu.memory_space<vmem>>) target(%dma_start3A_603 : memref<72x64xf32, #tpu.memory_space<hbm>>) target_semaphore(%dma_start3A_599 : memref<!tpu.dma_semaphore, #tpu.memory_space<semaphore_mem>>)
      %add3A_608 = arith.constant 4 : i32
      %add3A_609 = arith.addi %add3A_563, %add3A_608 : i32
      %lt3A_610 = arith.constant 256 : i32
      %lt3A_611 = arith.cmpi slt, %add3A_609, %lt3A_610 : i32
      %convert_element_type3A_612 = arith.extui %lt3A_611 : i1 to i32
      %cond3A_613 = arith.constant 0 : i32
      %cond3A_614 = arith.cmpi ne, %convert_element_type3A_612, %cond3A_613 : i32
      scf.if %cond3A_614 {
        %ge3A = arith.constant 8 : i32
        %ge3A_721 = arith.cmpi sge, %add3A_609, %ge3A : i32
        %convert_element_type3A_722 = arith.extui %ge3A_721 : i1 to i32
        %cond3A_723 = arith.constant 0 : i32
        %cond3A_724 = arith.cmpi ne, %convert_element_type3A_722, %cond3A_723 : i32
        scf.if %cond3A_724 {
          %sub3A = arith.constant 8 : i32
          %sub3A_744 = arith.subi %add3A_609, %sub3A : i32
          %div3A_745 = arith.constant 2 : i32
          %div3A_746 = arith.divsi %sub3A_744, %div3A_745 : i32
          %mul3A_747 = arith.constant 128 : i32
          %mul3A_748 = arith.muli %add3A, %mul3A_747 : i32
          %add3A_749 = arith.addi %mul3A_748, %div3A_746 : i32
          %dma_wait3A_750 = arith.constant 1 : i32
          %dma_wait3A_751 = arith.constant 1 : i32
          %dma_wait3A_752 = arith.constant 0 : i32
          %dma_wait3A_753 = arith.constant 0 : i32
          %dma_wait3A_754 = tpu.memref_slice %arg6[%dma_wait3A_750, %dma_wait3A_752, %dma_wait3A_753] : memref<8x128x64xf32, #tpu.memory_space<vmem>> -> memref<1x72x64xf32, #tpu.memory_space<vmem>>
          %dma_wait3A_755 = tpu.memref_squeeze %dma_wait3A_754 : memref<1x72x64xf32, #tpu.memory_space<vmem>> -> memref<72x64xf32, #tpu.memory_space<vmem>>
          %dma_wait3A_756 = arith.constant 128 : i32
          %dma_wait3A_757 = arith.constant 0 : i32
          %dma_wait3A_758 = tpu.memref_slice %arg4[%add3A_749, %dma_wait3A_756, %dma_wait3A_757] : memref<4096x200x128xf32, #tpu.memory_space<hbm>> -> memref<1x72x64xf32, #tpu.memory_space<hbm>>
          %dma_wait3A_759 = tpu.memref_squeeze %dma_wait3A_758 : memref<1x72x64xf32, #tpu.memory_space<hbm>> -> memref<72x64xf32, #tpu.memory_space<hbm>>
          %dma_wait3A_760 = tpu.memref_slice %arg9[%dma_wait3A_751] : memref<8x!tpu.dma_semaphore, #tpu.memory_space<semaphore_mem>> -> memref<1x!tpu.dma_semaphore, #tpu.memory_space<semaphore_mem>>
          %dma_wait3A_761 = tpu.memref_squeeze %dma_wait3A_760 : memref<1x!tpu.dma_semaphore, #tpu.memory_space<semaphore_mem>> -> memref<!tpu.dma_semaphore, #tpu.memory_space<semaphore_mem>>
          %dma_wait3A_762 = arith.constant 128 : i32
          %dma_wait3A_763 = arith.constant 0 : i32
          %dma_wait3A_764 = tpu.memref_slice %arg4[%add3A_749, %dma_wait3A_762, %dma_wait3A_763] : memref<4096x200x128xf32, #tpu.memory_space<hbm>> -> memref<1x72x64xf32, #tpu.memory_space<hbm>>
          %dma_wait3A_765 = tpu.memref_squeeze %dma_wait3A_764 : memref<1x72x64xf32, #tpu.memory_space<hbm>> -> memref<72x64xf32, #tpu.memory_space<hbm>>
          %dma_wait3A_766 = arith.constant 0 : i32
          %dma_wait3A_767 = arith.constant 0 : i32
          %dma_wait3A_768 = tpu.memref_slice %arg6[%dma_wait3A_750, %dma_wait3A_766, %dma_wait3A_767] : memref<8x128x64xf32, #tpu.memory_space<vmem>> -> memref<1x72x64xf32, #tpu.memory_space<vmem>>
          %dma_wait3A_769 = tpu.memref_squeeze %dma_wait3A_768 : memref<1x72x64xf32, #tpu.memory_space<vmem>> -> memref<72x64xf32, #tpu.memory_space<vmem>>
          tpu.wait_dma2 semaphore(%dma_wait3A_761 : memref<!tpu.dma_semaphore, #tpu.memory_space<semaphore_mem>>) src(%dma_wait3A_769 : memref<72x64xf32, #tpu.memory_space<vmem>>) dst(%dma_wait3A_765 : memref<72x64xf32, #tpu.memory_space<hbm>>)
        } else {
        }
        %div3A_725 = arith.constant 2 : i32
        %div3A_726 = arith.divsi %add3A_609, %div3A_725 : i32
        %mul3A_727 = arith.constant 128 : i32
        %mul3A_728 = arith.muli %add3A, %mul3A_727 : i32
        %add3A_729 = arith.addi %mul3A_728, %div3A_726 : i32
        %dma_start3A_730 = arith.constant 1 : i32
        %dma_start3A_731 = arith.constant 1 : i32
        %dma_start3A_732 = arith.constant 0 : i32
        %dma_start3A_733 = arith.constant 0 : i32
        %dma_start3A_734 = tpu.memref_slice %arg6[%dma_start3A_730, %dma_start3A_732, %dma_start3A_733] : memref<8x128x64xf32, #tpu.memory_space<vmem>> -> memref<1x72x64xf32, #tpu.memory_space<vmem>>
        %dma_start3A_735 = tpu.memref_squeeze %dma_start3A_734 : memref<1x72x64xf32, #tpu.memory_space<vmem>> -> memref<72x64xf32, #tpu.memory_space<vmem>>
        %dma_start3A_736 = arith.constant 128 : i32
        %dma_start3A_737 = tpu.memref_slice %arg5[%div3A_726, %dma_start3A_736] : memref<128x256xi32, #tpu.memory_space<vmem>> -> memref<1x72xi32, #tpu.memory_space<vmem>>
        %dma_start3A_738 = tpu.memref_squeeze %dma_start3A_737 : memref<1x72xi32, #tpu.memory_space<vmem>> -> memref<72xi32, #tpu.memory_space<vmem>>
        %dma_start3A_739 = arith.constant 0 : i32
        %dma_start3A_740 = arith.constant 0 : i32
        %dma_start3A_741 = tpu.memref_slice %arg7[%dma_start3A_739, %dma_start3A_740] : memref<1024x64xf32, #tpu.memory_space<vmem_shared>> -> memref<1024x64xf32, #tpu.memory_space<vmem_shared>>
        %dma_start3A_742 = tpu.memref_slice %arg8[%dma_start3A_731] : memref<8x!tpu.dma_semaphore, #tpu.memory_space<semaphore_mem>> -> memref<1x!tpu.dma_semaphore, #tpu.memory_space<semaphore_mem>>
        %dma_start3A_743 = tpu.memref_squeeze %dma_start3A_742 : memref<1x!tpu.dma_semaphore, #tpu.memory_space<semaphore_mem>> -> memref<!tpu.dma_semaphore, #tpu.memory_space<semaphore_mem>>
        tpu.enqueue_indirect_dma source(%dma_start3A_741 : memref<1024x64xf32, #tpu.memory_space<vmem_shared>>) target(%dma_start3A_735 : memref<72x64xf32, #tpu.memory_space<vmem>>) offsets(%dma_start3A_738 : memref<72xi32, #tpu.memory_space<vmem>>) semaphore(%dma_start3A_743 : memref<!tpu.dma_semaphore, #tpu.memory_space<semaphore_mem>>)
      } else {
      }
      %add3A_615 = arith.constant 6 : i32
      %add3A_616 = arith.addi %mul3A_297, %add3A_615 : i32
      %div3A_617 = arith.constant 2 : i32
      %div3A_618 = arith.divsi %add3A_616, %div3A_617 : i32
      %mul3A_619 = arith.constant 128 : i32
      %mul3A_620 = arith.muli %add3A, %mul3A_619 : i32
      %add3A_621 = arith.addi %mul3A_620, %div3A_618 : i32
      %dma_wait3A_622 = arith.constant 6 : i32
      %dma_wait3A_623 = arith.constant 6 : i32
      %dma_wait3A_624 = arith.constant 0 : i32
      %dma_wait3A_625 = arith.constant 0 : i32
      %dma_wait3A_626 = tpu.memref_slice %arg6[%dma_wait3A_622, %dma_wait3A_624, %dma_wait3A_625] : memref<8x128x64xf32, #tpu.memory_space<vmem>> -> memref<1x128x64xf32, #tpu.memory_space<vmem>>
      %dma_wait3A_627 = tpu.memref_squeeze %dma_wait3A_626 : memref<1x128x64xf32, #tpu.memory_space<vmem>> -> memref<128x64xf32, #tpu.memory_space<vmem>>
      %dma_wait3A_628 = arith.constant 0 : i32
      %dma_wait3A_629 = tpu.memref_slice %arg5[%div3A_618, %dma_wait3A_628] : memref<128x256xi32, #tpu.memory_space<vmem>> -> memref<1x128xi32, #tpu.memory_space<vmem>>
      %dma_wait3A_630 = tpu.memref_squeeze %dma_wait3A_629 : memref<1x128xi32, #tpu.memory_space<vmem>> -> memref<128xi32, #tpu.memory_space<vmem>>
      %dma_wait3A_631 = arith.constant 0 : i32
      %dma_wait3A_632 = arith.constant 0 : i32
      %dma_wait3A_633 = tpu.memref_slice %arg7[%dma_wait3A_631, %dma_wait3A_632] : memref<1024x64xf32, #tpu.memory_space<vmem_shared>> -> memref<1024x64xf32, #tpu.memory_space<vmem_shared>>
      %dma_wait3A_634 = tpu.memref_slice %arg8[%dma_wait3A_623] : memref<8x!tpu.dma_semaphore, #tpu.memory_space<semaphore_mem>> -> memref<1x!tpu.dma_semaphore, #tpu.memory_space<semaphore_mem>>
      %dma_wait3A_635 = tpu.memref_squeeze %dma_wait3A_634 : memref<1x!tpu.dma_semaphore, #tpu.memory_space<semaphore_mem>> -> memref<!tpu.dma_semaphore, #tpu.memory_space<semaphore_mem>>
      tpu.wait_indirect_dma semaphore(%dma_wait3A_635 : memref<!tpu.dma_semaphore, #tpu.memory_space<semaphore_mem>>) src(%dma_wait3A_633 : memref<1024x64xf32, #tpu.memory_space<vmem_shared>>) dst(%dma_wait3A_627 : memref<128x64xf32, #tpu.memory_space<vmem>>)
      %div3A_636 = arith.constant 2 : i32
      %div3A_637 = arith.divsi %add3A_616, %div3A_636 : i32
      %mul3A_638 = arith.constant 128 : i32
      %mul3A_639 = arith.muli %add3A, %mul3A_638 : i32
      %add3A_640 = arith.addi %mul3A_639, %div3A_637 : i32
      %dma_start3A_641 = arith.constant 6 : i32
      %dma_start3A_642 = arith.constant 6 : i32
      %dma_start3A_643 = arith.constant 0 : i32
      %dma_start3A_644 = arith.constant 0 : i32
      %dma_start3A_645 = tpu.memref_slice %arg6[%dma_start3A_641, %dma_start3A_643, %dma_start3A_644] : memref<8x128x64xf32, #tpu.memory_space<vmem>> -> memref<1x128x64xf32, #tpu.memory_space<vmem>>
      %dma_start3A_646 = tpu.memref_squeeze %dma_start3A_645 : memref<1x128x64xf32, #tpu.memory_space<vmem>> -> memref<128x64xf32, #tpu.memory_space<vmem>>
      %dma_start3A_647 = arith.constant 0 : i32
      %dma_start3A_648 = arith.constant 0 : i32
      %dma_start3A_649 = tpu.memref_slice %arg4[%add3A_640, %dma_start3A_647, %dma_start3A_648] : memref<4096x200x128xf32, #tpu.memory_space<hbm>> -> memref<1x128x64xf32, #tpu.memory_space<hbm>>
      %dma_start3A_650 = tpu.memref_squeeze %dma_start3A_649 : memref<1x128x64xf32, #tpu.memory_space<hbm>> -> memref<128x64xf32, #tpu.memory_space<hbm>>
      %dma_start3A_651 = tpu.memref_slice %arg9[%dma_start3A_642] : memref<8x!tpu.dma_semaphore, #tpu.memory_space<semaphore_mem>> -> memref<1x!tpu.dma_semaphore, #tpu.memory_space<semaphore_mem>>
      %dma_start3A_652 = tpu.memref_squeeze %dma_start3A_651 : memref<1x!tpu.dma_semaphore, #tpu.memory_space<semaphore_mem>> -> memref<!tpu.dma_semaphore, #tpu.memory_space<semaphore_mem>>
      %dma_start3A_653 = arith.constant 0 : i32
      %dma_start3A_654 = arith.constant 0 : i32
      %dma_start3A_655 = tpu.memref_slice %arg4[%add3A_640, %dma_start3A_653, %dma_start3A_654] : memref<4096x200x128xf32, #tpu.memory_space<hbm>> -> memref<1x128x64xf32, #tpu.memory_space<hbm>>
      %dma_start3A_656 = tpu.memref_squeeze %dma_start3A_655 : memref<1x128x64xf32, #tpu.memory_space<hbm>> -> memref<128x64xf32, #tpu.memory_space<hbm>>
      %dma_start3A_657 = arith.constant 0 : i32
      %dma_start3A_658 = arith.constant 0 : i32
      %dma_start3A_659 = tpu.memref_slice %arg6[%dma_start3A_641, %dma_start3A_657, %dma_start3A_658] : memref<8x128x64xf32, #tpu.memory_space<vmem>> -> memref<1x128x64xf32, #tpu.memory_space<vmem>>
      %dma_start3A_660 = tpu.memref_squeeze %dma_start3A_659 : memref<1x128x64xf32, #tpu.memory_space<vmem>> -> memref<128x64xf32, #tpu.memory_space<vmem>>
      tpu.enqueue_dma source(%dma_start3A_660 : memref<128x64xf32, #tpu.memory_space<vmem>>) target(%dma_start3A_656 : memref<128x64xf32, #tpu.memory_space<hbm>>) target_semaphore(%dma_start3A_652 : memref<!tpu.dma_semaphore, #tpu.memory_space<semaphore_mem>>)
      %add3A_661 = arith.constant 4 : i32
      %add3A_662 = arith.addi %add3A_616, %add3A_661 : i32
      %lt3A_663 = arith.constant 256 : i32
      %lt3A_664 = arith.cmpi slt, %add3A_662, %lt3A_663 : i32
      %convert_element_type3A_665 = arith.extui %lt3A_664 : i1 to i32
      %cond3A_666 = arith.constant 0 : i32
      %cond3A_667 = arith.cmpi ne, %convert_element_type3A_665, %cond3A_666 : i32
      scf.if %cond3A_667 {
        %ge3A = arith.constant 8 : i32
        %ge3A_721 = arith.cmpi sge, %add3A_662, %ge3A : i32
        %convert_element_type3A_722 = arith.extui %ge3A_721 : i1 to i32
        %cond3A_723 = arith.constant 0 : i32
        %cond3A_724 = arith.cmpi ne, %convert_element_type3A_722, %cond3A_723 : i32
        scf.if %cond3A_724 {
          %sub3A = arith.constant 8 : i32
          %sub3A_744 = arith.subi %add3A_662, %sub3A : i32
          %div3A_745 = arith.constant 2 : i32
          %div3A_746 = arith.divsi %sub3A_744, %div3A_745 : i32
          %mul3A_747 = arith.constant 128 : i32
          %mul3A_748 = arith.muli %add3A, %mul3A_747 : i32
          %add3A_749 = arith.addi %mul3A_748, %div3A_746 : i32
          %dma_wait3A_750 = arith.constant 2 : i32
          %dma_wait3A_751 = arith.constant 2 : i32
          %dma_wait3A_752 = arith.constant 0 : i32
          %dma_wait3A_753 = arith.constant 0 : i32
          %dma_wait3A_754 = tpu.memref_slice %arg6[%dma_wait3A_750, %dma_wait3A_752, %dma_wait3A_753] : memref<8x128x64xf32, #tpu.memory_space<vmem>> -> memref<1x128x64xf32, #tpu.memory_space<vmem>>
          %dma_wait3A_755 = tpu.memref_squeeze %dma_wait3A_754 : memref<1x128x64xf32, #tpu.memory_space<vmem>> -> memref<128x64xf32, #tpu.memory_space<vmem>>
          %dma_wait3A_756 = arith.constant 0 : i32
          %dma_wait3A_757 = arith.constant 0 : i32
          %dma_wait3A_758 = tpu.memref_slice %arg4[%add3A_749, %dma_wait3A_756, %dma_wait3A_757] : memref<4096x200x128xf32, #tpu.memory_space<hbm>> -> memref<1x128x64xf32, #tpu.memory_space<hbm>>
          %dma_wait3A_759 = tpu.memref_squeeze %dma_wait3A_758 : memref<1x128x64xf32, #tpu.memory_space<hbm>> -> memref<128x64xf32, #tpu.memory_space<hbm>>
          %dma_wait3A_760 = tpu.memref_slice %arg9[%dma_wait3A_751] : memref<8x!tpu.dma_semaphore, #tpu.memory_space<semaphore_mem>> -> memref<1x!tpu.dma_semaphore, #tpu.memory_space<semaphore_mem>>
          %dma_wait3A_761 = tpu.memref_squeeze %dma_wait3A_760 : memref<1x!tpu.dma_semaphore, #tpu.memory_space<semaphore_mem>> -> memref<!tpu.dma_semaphore, #tpu.memory_space<semaphore_mem>>
          %dma_wait3A_762 = arith.constant 0 : i32
          %dma_wait3A_763 = arith.constant 0 : i32
          %dma_wait3A_764 = tpu.memref_slice %arg4[%add3A_749, %dma_wait3A_762, %dma_wait3A_763] : memref<4096x200x128xf32, #tpu.memory_space<hbm>> -> memref<1x128x64xf32, #tpu.memory_space<hbm>>
          %dma_wait3A_765 = tpu.memref_squeeze %dma_wait3A_764 : memref<1x128x64xf32, #tpu.memory_space<hbm>> -> memref<128x64xf32, #tpu.memory_space<hbm>>
          %dma_wait3A_766 = arith.constant 0 : i32
          %dma_wait3A_767 = arith.constant 0 : i32
          %dma_wait3A_768 = tpu.memref_slice %arg6[%dma_wait3A_750, %dma_wait3A_766, %dma_wait3A_767] : memref<8x128x64xf32, #tpu.memory_space<vmem>> -> memref<1x128x64xf32, #tpu.memory_space<vmem>>
          %dma_wait3A_769 = tpu.memref_squeeze %dma_wait3A_768 : memref<1x128x64xf32, #tpu.memory_space<vmem>> -> memref<128x64xf32, #tpu.memory_space<vmem>>
          tpu.wait_dma2 semaphore(%dma_wait3A_761 : memref<!tpu.dma_semaphore, #tpu.memory_space<semaphore_mem>>) src(%dma_wait3A_769 : memref<128x64xf32, #tpu.memory_space<vmem>>) dst(%dma_wait3A_765 : memref<128x64xf32, #tpu.memory_space<hbm>>)
        } else {
        }
        %div3A_725 = arith.constant 2 : i32
        %div3A_726 = arith.divsi %add3A_662, %div3A_725 : i32
        %mul3A_727 = arith.constant 128 : i32
        %mul3A_728 = arith.muli %add3A, %mul3A_727 : i32
        %add3A_729 = arith.addi %mul3A_728, %div3A_726 : i32
        %dma_start3A_730 = arith.constant 2 : i32
        %dma_start3A_731 = arith.constant 2 : i32
        %dma_start3A_732 = arith.constant 0 : i32
        %dma_start3A_733 = arith.constant 0 : i32
        %dma_start3A_734 = tpu.memref_slice %arg6[%dma_start3A_730, %dma_start3A_732, %dma_start3A_733] : memref<8x128x64xf32, #tpu.memory_space<vmem>> -> memref<1x128x64xf32, #tpu.memory_space<vmem>>
        %dma_start3A_735 = tpu.memref_squeeze %dma_start3A_734 : memref<1x128x64xf32, #tpu.memory_space<vmem>> -> memref<128x64xf32, #tpu.memory_space<vmem>>
        %dma_start3A_736 = arith.constant 0 : i32
        %dma_start3A_737 = tpu.memref_slice %arg5[%div3A_726, %dma_start3A_736] : memref<128x256xi32, #tpu.memory_space<vmem>> -> memref<1x128xi32, #tpu.memory_space<vmem>>
        %dma_start3A_738 = tpu.memref_squeeze %dma_start3A_737 : memref<1x128xi32, #tpu.memory_space<vmem>> -> memref<128xi32, #tpu.memory_space<vmem>>
        %dma_start3A_739 = arith.constant 0 : i32
        %dma_start3A_740 = arith.constant 0 : i32
        %dma_start3A_741 = tpu.memref_slice %arg7[%dma_start3A_739, %dma_start3A_740] : memref<1024x64xf32, #tpu.memory_space<vmem_shared>> -> memref<1024x64xf32, #tpu.memory_space<vmem_shared>>
        %dma_start3A_742 = tpu.memref_slice %arg8[%dma_start3A_731] : memref<8x!tpu.dma_semaphore, #tpu.memory_space<semaphore_mem>> -> memref<1x!tpu.dma_semaphore, #tpu.memory_space<semaphore_mem>>
        %dma_start3A_743 = tpu.memref_squeeze %dma_start3A_742 : memref<1x!tpu.dma_semaphore, #tpu.memory_space<semaphore_mem>> -> memref<!tpu.dma_semaphore, #tpu.memory_space<semaphore_mem>>
        tpu.enqueue_indirect_dma source(%dma_start3A_741 : memref<1024x64xf32, #tpu.memory_space<vmem_shared>>) target(%dma_start3A_735 : memref<128x64xf32, #tpu.memory_space<vmem>>) offsets(%dma_start3A_738 : memref<128xi32, #tpu.memory_space<vmem>>) semaphore(%dma_start3A_743 : memref<!tpu.dma_semaphore, #tpu.memory_space<semaphore_mem>>)
      } else {
      }
      %add3A_668 = arith.constant 7 : i32
      %add3A_669 = arith.addi %mul3A_297, %add3A_668 : i32
      %div3A_670 = arith.constant 2 : i32
      %div3A_671 = arith.divsi %add3A_669, %div3A_670 : i32
      %mul3A_672 = arith.constant 128 : i32
      %mul3A_673 = arith.muli %add3A, %mul3A_672 : i32
      %add3A_674 = arith.addi %mul3A_673, %div3A_671 : i32
      %dma_wait3A_675 = arith.constant 7 : i32
      %dma_wait3A_676 = arith.constant 7 : i32
      %dma_wait3A_677 = arith.constant 0 : i32
      %dma_wait3A_678 = arith.constant 0 : i32
      %dma_wait3A_679 = tpu.memref_slice %arg6[%dma_wait3A_675, %dma_wait3A_677, %dma_wait3A_678] : memref<8x128x64xf32, #tpu.memory_space<vmem>> -> memref<1x72x64xf32, #tpu.memory_space<vmem>>
      %dma_wait3A_680 = tpu.memref_squeeze %dma_wait3A_679 : memref<1x72x64xf32, #tpu.memory_space<vmem>> -> memref<72x64xf32, #tpu.memory_space<vmem>>
      %dma_wait3A_681 = arith.constant 128 : i32
      %dma_wait3A_682 = tpu.memref_slice %arg5[%div3A_671, %dma_wait3A_681] : memref<128x256xi32, #tpu.memory_space<vmem>> -> memref<1x72xi32, #tpu.memory_space<vmem>>
      %dma_wait3A_683 = tpu.memref_squeeze %dma_wait3A_682 : memref<1x72xi32, #tpu.memory_space<vmem>> -> memref<72xi32, #tpu.memory_space<vmem>>
      %dma_wait3A_684 = arith.constant 0 : i32
      %dma_wait3A_685 = arith.constant 0 : i32
      %dma_wait3A_686 = tpu.memref_slice %arg7[%dma_wait3A_684, %dma_wait3A_685] : memref<1024x64xf32, #tpu.memory_space<vmem_shared>> -> memref<1024x64xf32, #tpu.memory_space<vmem_shared>>
      %dma_wait3A_687 = tpu.memref_slice %arg8[%dma_wait3A_676] : memref<8x!tpu.dma_semaphore, #tpu.memory_space<semaphore_mem>> -> memref<1x!tpu.dma_semaphore, #tpu.memory_space<semaphore_mem>>
      %dma_wait3A_688 = tpu.memref_squeeze %dma_wait3A_687 : memref<1x!tpu.dma_semaphore, #tpu.memory_space<semaphore_mem>> -> memref<!tpu.dma_semaphore, #tpu.memory_space<semaphore_mem>>
      tpu.wait_indirect_dma semaphore(%dma_wait3A_688 : memref<!tpu.dma_semaphore, #tpu.memory_space<semaphore_mem>>) src(%dma_wait3A_686 : memref<1024x64xf32, #tpu.memory_space<vmem_shared>>) dst(%dma_wait3A_680 : memref<72x64xf32, #tpu.memory_space<vmem>>)
      %div3A_689 = arith.constant 2 : i32
      %div3A_690 = arith.divsi %add3A_669, %div3A_689 : i32
      %mul3A_691 = arith.constant 128 : i32
      %mul3A_692 = arith.muli %add3A, %mul3A_691 : i32
      %add3A_693 = arith.addi %mul3A_692, %div3A_690 : i32
      %dma_start3A_694 = arith.constant 7 : i32
      %dma_start3A_695 = arith.constant 7 : i32
      %dma_start3A_696 = arith.constant 0 : i32
      %dma_start3A_697 = arith.constant 0 : i32
      %dma_start3A_698 = tpu.memref_slice %arg6[%dma_start3A_694, %dma_start3A_696, %dma_start3A_697] : memref<8x128x64xf32, #tpu.memory_space<vmem>> -> memref<1x72x64xf32, #tpu.memory_space<vmem>>
      %dma_start3A_699 = tpu.memref_squeeze %dma_start3A_698 : memref<1x72x64xf32, #tpu.memory_space<vmem>> -> memref<72x64xf32, #tpu.memory_space<vmem>>
      %dma_start3A_700 = arith.constant 128 : i32
      %dma_start3A_701 = arith.constant 0 : i32
      %dma_start3A_702 = tpu.memref_slice %arg4[%add3A_693, %dma_start3A_700, %dma_start3A_701] : memref<4096x200x128xf32, #tpu.memory_space<hbm>> -> memref<1x72x64xf32, #tpu.memory_space<hbm>>
      %dma_start3A_703 = tpu.memref_squeeze %dma_start3A_702 : memref<1x72x64xf32, #tpu.memory_space<hbm>> -> memref<72x64xf32, #tpu.memory_space<hbm>>
      %dma_start3A_704 = tpu.memref_slice %arg9[%dma_start3A_695] : memref<8x!tpu.dma_semaphore, #tpu.memory_space<semaphore_mem>> -> memref<1x!tpu.dma_semaphore, #tpu.memory_space<semaphore_mem>>
      %dma_start3A_705 = tpu.memref_squeeze %dma_start3A_704 : memref<1x!tpu.dma_semaphore, #tpu.memory_space<semaphore_mem>> -> memref<!tpu.dma_semaphore, #tpu.memory_space<semaphore_mem>>
      %dma_start3A_706 = arith.constant 128 : i32
      %dma_start3A_707 = arith.constant 0 : i32
      %dma_start3A_708 = tpu.memref_slice %arg4[%add3A_693, %dma_start3A_706, %dma_start3A_707] : memref<4096x200x128xf32, #tpu.memory_space<hbm>> -> memref<1x72x64xf32, #tpu.memory_space<hbm>>
      %dma_start3A_709 = tpu.memref_squeeze %dma_start3A_708 : memref<1x72x64xf32, #tpu.memory_space<hbm>> -> memref<72x64xf32, #tpu.memory_space<hbm>>
      %dma_start3A_710 = arith.constant 0 : i32
      %dma_start3A_711 = arith.constant 0 : i32
      %dma_start3A_712 = tpu.memref_slice %arg6[%dma_start3A_694, %dma_start3A_710, %dma_start3A_711] : memref<8x128x64xf32, #tpu.memory_space<vmem>> -> memref<1x72x64xf32, #tpu.memory_space<vmem>>
      %dma_start3A_713 = tpu.memref_squeeze %dma_start3A_712 : memref<1x72x64xf32, #tpu.memory_space<vmem>> -> memref<72x64xf32, #tpu.memory_space<vmem>>
      tpu.enqueue_dma source(%dma_start3A_713 : memref<72x64xf32, #tpu.memory_space<vmem>>) target(%dma_start3A_709 : memref<72x64xf32, #tpu.memory_space<hbm>>) target_semaphore(%dma_start3A_705 : memref<!tpu.dma_semaphore, #tpu.memory_space<semaphore_mem>>)
      %add3A_714 = arith.constant 4 : i32
      %add3A_715 = arith.addi %add3A_669, %add3A_714 : i32
      %lt3A_716 = arith.constant 256 : i32
      %lt3A_717 = arith.cmpi slt, %add3A_715, %lt3A_716 : i32
      %convert_element_type3A_718 = arith.extui %lt3A_717 : i1 to i32
      %cond3A_719 = arith.constant 0 : i32
      %cond3A_720 = arith.cmpi ne, %convert_element_type3A_718, %cond3A_719 : i32
      scf.if %cond3A_720 {
        %ge3A = arith.constant 8 : i32
        %ge3A_721 = arith.cmpi sge, %add3A_715, %ge3A : i32
        %convert_element_type3A_722 = arith.extui %ge3A_721 : i1 to i32
        %cond3A_723 = arith.constant 0 : i32
        %cond3A_724 = arith.cmpi ne, %convert_element_type3A_722, %cond3A_723 : i32
        scf.if %cond3A_724 {
          %sub3A = arith.constant 8 : i32
          %sub3A_744 = arith.subi %add3A_715, %sub3A : i32
          %div3A_745 = arith.constant 2 : i32
          %div3A_746 = arith.divsi %sub3A_744, %div3A_745 : i32
          %mul3A_747 = arith.constant 128 : i32
          %mul3A_748 = arith.muli %add3A, %mul3A_747 : i32
          %add3A_749 = arith.addi %mul3A_748, %div3A_746 : i32
          %dma_wait3A_750 = arith.constant 3 : i32
          %dma_wait3A_751 = arith.constant 3 : i32
          %dma_wait3A_752 = arith.constant 0 : i32
          %dma_wait3A_753 = arith.constant 0 : i32
          %dma_wait3A_754 = tpu.memref_slice %arg6[%dma_wait3A_750, %dma_wait3A_752, %dma_wait3A_753] : memref<8x128x64xf32, #tpu.memory_space<vmem>> -> memref<1x72x64xf32, #tpu.memory_space<vmem>>
          %dma_wait3A_755 = tpu.memref_squeeze %dma_wait3A_754 : memref<1x72x64xf32, #tpu.memory_space<vmem>> -> memref<72x64xf32, #tpu.memory_space<vmem>>
          %dma_wait3A_756 = arith.constant 128 : i32
          %dma_wait3A_757 = arith.constant 0 : i32
          %dma_wait3A_758 = tpu.memref_slice %arg4[%add3A_749, %dma_wait3A_756, %dma_wait3A_757] : memref<4096x200x128xf32, #tpu.memory_space<hbm>> -> memref<1x72x64xf32, #tpu.memory_space<hbm>>
          %dma_wait3A_759 = tpu.memref_squeeze %dma_wait3A_758 : memref<1x72x64xf32, #tpu.memory_space<hbm>> -> memref<72x64xf32, #tpu.memory_space<hbm>>
          %dma_wait3A_760 = tpu.memref_slice %arg9[%dma_wait3A_751] : memref<8x!tpu.dma_semaphore, #tpu.memory_space<semaphore_mem>> -> memref<1x!tpu.dma_semaphore, #tpu.memory_space<semaphore_mem>>
          %dma_wait3A_761 = tpu.memref_squeeze %dma_wait3A_760 : memref<1x!tpu.dma_semaphore, #tpu.memory_space<semaphore_mem>> -> memref<!tpu.dma_semaphore, #tpu.memory_space<semaphore_mem>>
          %dma_wait3A_762 = arith.constant 128 : i32
          %dma_wait3A_763 = arith.constant 0 : i32
          %dma_wait3A_764 = tpu.memref_slice %arg4[%add3A_749, %dma_wait3A_762, %dma_wait3A_763] : memref<4096x200x128xf32, #tpu.memory_space<hbm>> -> memref<1x72x64xf32, #tpu.memory_space<hbm>>
          %dma_wait3A_765 = tpu.memref_squeeze %dma_wait3A_764 : memref<1x72x64xf32, #tpu.memory_space<hbm>> -> memref<72x64xf32, #tpu.memory_space<hbm>>
          %dma_wait3A_766 = arith.constant 0 : i32
          %dma_wait3A_767 = arith.constant 0 : i32
          %dma_wait3A_768 = tpu.memref_slice %arg6[%dma_wait3A_750, %dma_wait3A_766, %dma_wait3A_767] : memref<8x128x64xf32, #tpu.memory_space<vmem>> -> memref<1x72x64xf32, #tpu.memory_space<vmem>>
          %dma_wait3A_769 = tpu.memref_squeeze %dma_wait3A_768 : memref<1x72x64xf32, #tpu.memory_space<vmem>> -> memref<72x64xf32, #tpu.memory_space<vmem>>
          tpu.wait_dma2 semaphore(%dma_wait3A_761 : memref<!tpu.dma_semaphore, #tpu.memory_space<semaphore_mem>>) src(%dma_wait3A_769 : memref<72x64xf32, #tpu.memory_space<vmem>>) dst(%dma_wait3A_765 : memref<72x64xf32, #tpu.memory_space<hbm>>)
        } else {
        }
        %div3A_725 = arith.constant 2 : i32
        %div3A_726 = arith.divsi %add3A_715, %div3A_725 : i32
        %mul3A_727 = arith.constant 128 : i32
        %mul3A_728 = arith.muli %add3A, %mul3A_727 : i32
        %add3A_729 = arith.addi %mul3A_728, %div3A_726 : i32
        %dma_start3A_730 = arith.constant 3 : i32
        %dma_start3A_731 = arith.constant 3 : i32
        %dma_start3A_732 = arith.constant 0 : i32
        %dma_start3A_733 = arith.constant 0 : i32
        %dma_start3A_734 = tpu.memref_slice %arg6[%dma_start3A_730, %dma_start3A_732, %dma_start3A_733] : memref<8x128x64xf32, #tpu.memory_space<vmem>> -> memref<1x72x64xf32, #tpu.memory_space<vmem>>
        %dma_start3A_735 = tpu.memref_squeeze %dma_start3A_734 : memref<1x72x64xf32, #tpu.memory_space<vmem>> -> memref<72x64xf32, #tpu.memory_space<vmem>>
        %dma_start3A_736 = arith.constant 128 : i32
        %dma_start3A_737 = tpu.memref_slice %arg5[%div3A_726, %dma_start3A_736] : memref<128x256xi32, #tpu.memory_space<vmem>> -> memref<1x72xi32, #tpu.memory_space<vmem>>
        %dma_start3A_738 = tpu.memref_squeeze %dma_start3A_737 : memref<1x72xi32, #tpu.memory_space<vmem>> -> memref<72xi32, #tpu.memory_space<vmem>>
        %dma_start3A_739 = arith.constant 0 : i32
        %dma_start3A_740 = arith.constant 0 : i32
        %dma_start3A_741 = tpu.memref_slice %arg7[%dma_start3A_739, %dma_start3A_740] : memref<1024x64xf32, #tpu.memory_space<vmem_shared>> -> memref<1024x64xf32, #tpu.memory_space<vmem_shared>>
        %dma_start3A_742 = tpu.memref_slice %arg8[%dma_start3A_731] : memref<8x!tpu.dma_semaphore, #tpu.memory_space<semaphore_mem>> -> memref<1x!tpu.dma_semaphore, #tpu.memory_space<semaphore_mem>>
        %dma_start3A_743 = tpu.memref_squeeze %dma_start3A_742 : memref<1x!tpu.dma_semaphore, #tpu.memory_space<semaphore_mem>> -> memref<!tpu.dma_semaphore, #tpu.memory_space<semaphore_mem>>
        tpu.enqueue_indirect_dma source(%dma_start3A_741 : memref<1024x64xf32, #tpu.memory_space<vmem_shared>>) target(%dma_start3A_735 : memref<72x64xf32, #tpu.memory_space<vmem>>) offsets(%dma_start3A_738 : memref<72xi32, #tpu.memory_space<vmem>>) semaphore(%dma_start3A_743 : memref<!tpu.dma_semaphore, #tpu.memory_space<semaphore_mem>>)
      } else {
      }
    }
    %scan3A_87 = arith.constant 32 : i32
    %div3A_88 = arith.constant 248 : i32
    %div3A_89 = arith.constant 2 : i32
    %div3A_90 = arith.divsi %div3A_88, %div3A_89 : i32
    %mul3A_91 = arith.constant 128 : i32
    %mul3A_92 = arith.muli %add3A, %mul3A_91 : i32
    %add3A_93 = arith.addi %mul3A_92, %div3A_90 : i32
    %dma_wait3A = arith.constant 0 : i32
    %dma_wait3A_94 = arith.constant 0 : i32
    %dma_wait3A_95 = arith.constant 0 : i32
    %dma_wait3A_96 = arith.constant 0 : i32
    %dma_wait3A_97 = tpu.memref_slice %arg6[%dma_wait3A, %dma_wait3A_95, %dma_wait3A_96] : memref<8x128x64xf32, #tpu.memory_space<vmem>> -> memref<1x128x64xf32, #tpu.memory_space<vmem>>
    %dma_wait3A_98 = tpu.memref_squeeze %dma_wait3A_97 : memref<1x128x64xf32, #tpu.memory_space<vmem>> -> memref<128x64xf32, #tpu.memory_space<vmem>>
    %dma_wait3A_99 = arith.constant 0 : i32
    %dma_wait3A_100 = arith.constant 0 : i32
    %dma_wait3A_101 = tpu.memref_slice %arg4[%add3A_93, %dma_wait3A_99, %dma_wait3A_100] : memref<4096x200x128xf32, #tpu.memory_space<hbm>> -> memref<1x128x64xf32, #tpu.memory_space<hbm>>
    %dma_wait3A_102 = tpu.memref_squeeze %dma_wait3A_101 : memref<1x128x64xf32, #tpu.memory_space<hbm>> -> memref<128x64xf32, #tpu.memory_space<hbm>>
    %dma_wait3A_103 = tpu.memref_slice %arg9[%dma_wait3A_94] : memref<8x!tpu.dma_semaphore, #tpu.memory_space<semaphore_mem>> -> memref<1x!tpu.dma_semaphore, #tpu.memory_space<semaphore_mem>>
    %dma_wait3A_104 = tpu.memref_squeeze %dma_wait3A_103 : memref<1x!tpu.dma_semaphore, #tpu.memory_space<semaphore_mem>> -> memref<!tpu.dma_semaphore, #tpu.memory_space<semaphore_mem>>
    %dma_wait3A_105 = arith.constant 0 : i32
    %dma_wait3A_106 = arith.constant 0 : i32
    %dma_wait3A_107 = tpu.memref_slice %arg4[%add3A_93, %dma_wait3A_105, %dma_wait3A_106] : memref<4096x200x128xf32, #tpu.memory_space<hbm>> -> memref<1x128x64xf32, #tpu.memory_space<hbm>>
    %dma_wait3A_108 = tpu.memref_squeeze %dma_wait3A_107 : memref<1x128x64xf32, #tpu.memory_space<hbm>> -> memref<128x64xf32, #tpu.memory_space<hbm>>
    %dma_wait3A_109 = arith.constant 0 : i32
    %dma_wait3A_110 = arith.constant 0 : i32
    %dma_wait3A_111 = tpu.memref_slice %arg6[%dma_wait3A, %dma_wait3A_109, %dma_wait3A_110] : memref<8x128x64xf32, #tpu.memory_space<vmem>> -> memref<1x128x64xf32, #tpu.memory_space<vmem>>
    %dma_wait3A_112 = tpu.memref_squeeze %dma_wait3A_111 : memref<1x128x64xf32, #tpu.memory_space<vmem>> -> memref<128x64xf32, #tpu.memory_space<vmem>>
    tpu.wait_dma2 semaphore(%dma_wait3A_104 : memref<!tpu.dma_semaphore, #tpu.memory_space<semaphore_mem>>) src(%dma_wait3A_112 : memref<128x64xf32, #tpu.memory_space<vmem>>) dst(%dma_wait3A_108 : memref<128x64xf32, #tpu.memory_space<hbm>>)
    %div3A_113 = arith.constant 249 : i32
    %div3A_114 = arith.constant 2 : i32
    %div3A_115 = arith.divsi %div3A_113, %div3A_114 : i32
    %mul3A_116 = arith.constant 128 : i32
    %mul3A_117 = arith.muli %add3A, %mul3A_116 : i32
    %add3A_118 = arith.addi %mul3A_117, %div3A_115 : i32
    %dma_wait3A_119 = arith.constant 1 : i32
    %dma_wait3A_120 = arith.constant 1 : i32
    %dma_wait3A_121 = arith.constant 0 : i32
    %dma_wait3A_122 = arith.constant 0 : i32
    %dma_wait3A_123 = tpu.memref_slice %arg6[%dma_wait3A_119, %dma_wait3A_121, %dma_wait3A_122] : memref<8x128x64xf32, #tpu.memory_space<vmem>> -> memref<1x72x64xf32, #tpu.memory_space<vmem>>
    %dma_wait3A_124 = tpu.memref_squeeze %dma_wait3A_123 : memref<1x72x64xf32, #tpu.memory_space<vmem>> -> memref<72x64xf32, #tpu.memory_space<vmem>>
    %dma_wait3A_125 = arith.constant 128 : i32
    %dma_wait3A_126 = arith.constant 0 : i32
    %dma_wait3A_127 = tpu.memref_slice %arg4[%add3A_118, %dma_wait3A_125, %dma_wait3A_126] : memref<4096x200x128xf32, #tpu.memory_space<hbm>> -> memref<1x72x64xf32, #tpu.memory_space<hbm>>
    %dma_wait3A_128 = tpu.memref_squeeze %dma_wait3A_127 : memref<1x72x64xf32, #tpu.memory_space<hbm>> -> memref<72x64xf32, #tpu.memory_space<hbm>>
    %dma_wait3A_129 = tpu.memref_slice %arg9[%dma_wait3A_120] : memref<8x!tpu.dma_semaphore, #tpu.memory_space<semaphore_mem>> -> memref<1x!tpu.dma_semaphore, #tpu.memory_space<semaphore_mem>>
    %dma_wait3A_130 = tpu.memref_squeeze %dma_wait3A_129 : memref<1x!tpu.dma_semaphore, #tpu.memory_space<semaphore_mem>> -> memref<!tpu.dma_semaphore, #tpu.memory_space<semaphore_mem>>
    %dma_wait3A_131 = arith.constant 128 : i32
    %dma_wait3A_132 = arith.constant 0 : i32
    %dma_wait3A_133 = tpu.memref_slice %arg4[%add3A_118, %dma_wait3A_131, %dma_wait3A_132] : memref<4096x200x128xf32, #tpu.memory_space<hbm>> -> memref<1x72x64xf32, #tpu.memory_space<hbm>>
    %dma_wait3A_134 = tpu.memref_squeeze %dma_wait3A_133 : memref<1x72x64xf32, #tpu.memory_space<hbm>> -> memref<72x64xf32, #tpu.memory_space<hbm>>
    %dma_wait3A_135 = arith.constant 0 : i32
    %dma_wait3A_136 = arith.constant 0 : i32
    %dma_wait3A_137 = tpu.memref_slice %arg6[%dma_wait3A_119, %dma_wait3A_135, %dma_wait3A_136] : memref<8x128x64xf32, #tpu.memory_space<vmem>> -> memref<1x72x64xf32, #tpu.memory_space<vmem>>
    %dma_wait3A_138 = tpu.memref_squeeze %dma_wait3A_137 : memref<1x72x64xf32, #tpu.memory_space<vmem>> -> memref<72x64xf32, #tpu.memory_space<vmem>>
    tpu.wait_dma2 semaphore(%dma_wait3A_130 : memref<!tpu.dma_semaphore, #tpu.memory_space<semaphore_mem>>) src(%dma_wait3A_138 : memref<72x64xf32, #tpu.memory_space<vmem>>) dst(%dma_wait3A_134 : memref<72x64xf32, #tpu.memory_space<hbm>>)
    %div3A_139 = arith.constant 250 : i32
    %div3A_140 = arith.constant 2 : i32
    %div3A_141 = arith.divsi %div3A_139, %div3A_140 : i32
    %mul3A_142 = arith.constant 128 : i32
    %mul3A_143 = arith.muli %add3A, %mul3A_142 : i32
    %add3A_144 = arith.addi %mul3A_143, %div3A_141 : i32
    %dma_wait3A_145 = arith.constant 2 : i32
    %dma_wait3A_146 = arith.constant 2 : i32
    %dma_wait3A_147 = arith.constant 0 : i32
    %dma_wait3A_148 = arith.constant 0 : i32
    %dma_wait3A_149 = tpu.memref_slice %arg6[%dma_wait3A_145, %dma_wait3A_147, %dma_wait3A_148] : memref<8x128x64xf32, #tpu.memory_space<vmem>> -> memref<1x128x64xf32, #tpu.memory_space<vmem>>
    %dma_wait3A_150 = tpu.memref_squeeze %dma_wait3A_149 : memref<1x128x64xf32, #tpu.memory_space<vmem>> -> memref<128x64xf32, #tpu.memory_space<vmem>>
    %dma_wait3A_151 = arith.constant 0 : i32
    %dma_wait3A_152 = arith.constant 0 : i32
    %dma_wait3A_153 = tpu.memref_slice %arg4[%add3A_144, %dma_wait3A_151, %dma_wait3A_152] : memref<4096x200x128xf32, #tpu.memory_space<hbm>> -> memref<1x128x64xf32, #tpu.memory_space<hbm>>
    %dma_wait3A_154 = tpu.memref_squeeze %dma_wait3A_153 : memref<1x128x64xf32, #tpu.memory_space<hbm>> -> memref<128x64xf32, #tpu.memory_space<hbm>>
    %dma_wait3A_155 = tpu.memref_slice %arg9[%dma_wait3A_146] : memref<8x!tpu.dma_semaphore, #tpu.memory_space<semaphore_mem>> -> memref<1x!tpu.dma_semaphore, #tpu.memory_space<semaphore_mem>>
    %dma_wait3A_156 = tpu.memref_squeeze %dma_wait3A_155 : memref<1x!tpu.dma_semaphore, #tpu.memory_space<semaphore_mem>> -> memref<!tpu.dma_semaphore, #tpu.memory_space<semaphore_mem>>
    %dma_wait3A_157 = arith.constant 0 : i32
    %dma_wait3A_158 = arith.constant 0 : i32
    %dma_wait3A_159 = tpu.memref_slice %arg4[%add3A_144, %dma_wait3A_157, %dma_wait3A_158] : memref<4096x200x128xf32, #tpu.memory_space<hbm>> -> memref<1x128x64xf32, #tpu.memory_space<hbm>>
    %dma_wait3A_160 = tpu.memref_squeeze %dma_wait3A_159 : memref<1x128x64xf32, #tpu.memory_space<hbm>> -> memref<128x64xf32, #tpu.memory_space<hbm>>
    %dma_wait3A_161 = arith.constant 0 : i32
    %dma_wait3A_162 = arith.constant 0 : i32
    %dma_wait3A_163 = tpu.memref_slice %arg6[%dma_wait3A_145, %dma_wait3A_161, %dma_wait3A_162] : memref<8x128x64xf32, #tpu.memory_space<vmem>> -> memref<1x128x64xf32, #tpu.memory_space<vmem>>
    %dma_wait3A_164 = tpu.memref_squeeze %dma_wait3A_163 : memref<1x128x64xf32, #tpu.memory_space<vmem>> -> memref<128x64xf32, #tpu.memory_space<vmem>>
    tpu.wait_dma2 semaphore(%dma_wait3A_156 : memref<!tpu.dma_semaphore, #tpu.memory_space<semaphore_mem>>) src(%dma_wait3A_164 : memref<128x64xf32, #tpu.memory_space<vmem>>) dst(%dma_wait3A_160 : memref<128x64xf32, #tpu.memory_space<hbm>>)
    %div3A_165 = arith.constant 251 : i32
    %div3A_166 = arith.constant 2 : i32
    %div3A_167 = arith.divsi %div3A_165, %div3A_166 : i32
    %mul3A_168 = arith.constant 128 : i32
    %mul3A_169 = arith.muli %add3A, %mul3A_168 : i32
    %add3A_170 = arith.addi %mul3A_169, %div3A_167 : i32
    %dma_wait3A_171 = arith.constant 3 : i32
    %dma_wait3A_172 = arith.constant 3 : i32
    %dma_wait3A_173 = arith.constant 0 : i32
    %dma_wait3A_174 = arith.constant 0 : i32
    %dma_wait3A_175 = tpu.memref_slice %arg6[%dma_wait3A_171, %dma_wait3A_173, %dma_wait3A_174] : memref<8x128x64xf32, #tpu.memory_space<vmem>> -> memref<1x72x64xf32, #tpu.memory_space<vmem>>
    %dma_wait3A_176 = tpu.memref_squeeze %dma_wait3A_175 : memref<1x72x64xf32, #tpu.memory_space<vmem>> -> memref<72x64xf32, #tpu.memory_space<vmem>>
    %dma_wait3A_177 = arith.constant 128 : i32
    %dma_wait3A_178 = arith.constant 0 : i32
    %dma_wait3A_179 = tpu.memref_slice %arg4[%add3A_170, %dma_wait3A_177, %dma_wait3A_178] : memref<4096x200x128xf32, #tpu.memory_space<hbm>> -> memref<1x72x64xf32, #tpu.memory_space<hbm>>
    %dma_wait3A_180 = tpu.memref_squeeze %dma_wait3A_179 : memref<1x72x64xf32, #tpu.memory_space<hbm>> -> memref<72x64xf32, #tpu.memory_space<hbm>>
    %dma_wait3A_181 = tpu.memref_slice %arg9[%dma_wait3A_172] : memref<8x!tpu.dma_semaphore, #tpu.memory_space<semaphore_mem>> -> memref<1x!tpu.dma_semaphore, #tpu.memory_space<semaphore_mem>>
    %dma_wait3A_182 = tpu.memref_squeeze %dma_wait3A_181 : memref<1x!tpu.dma_semaphore, #tpu.memory_space<semaphore_mem>> -> memref<!tpu.dma_semaphore, #tpu.memory_space<semaphore_mem>>
    %dma_wait3A_183 = arith.constant 128 : i32
    %dma_wait3A_184 = arith.constant 0 : i32
    %dma_wait3A_185 = tpu.memref_slice %arg4[%add3A_170, %dma_wait3A_183, %dma_wait3A_184] : memref<4096x200x128xf32, #tpu.memory_space<hbm>> -> memref<1x72x64xf32, #tpu.memory_space<hbm>>
    %dma_wait3A_186 = tpu.memref_squeeze %dma_wait3A_185 : memref<1x72x64xf32, #tpu.memory_space<hbm>> -> memref<72x64xf32, #tpu.memory_space<hbm>>
    %dma_wait3A_187 = arith.constant 0 : i32
    %dma_wait3A_188 = arith.constant 0 : i32
    %dma_wait3A_189 = tpu.memref_slice %arg6[%dma_wait3A_171, %dma_wait3A_187, %dma_wait3A_188] : memref<8x128x64xf32, #tpu.memory_space<vmem>> -> memref<1x72x64xf32, #tpu.memory_space<vmem>>
    %dma_wait3A_190 = tpu.memref_squeeze %dma_wait3A_189 : memref<1x72x64xf32, #tpu.memory_space<vmem>> -> memref<72x64xf32, #tpu.memory_space<vmem>>
    tpu.wait_dma2 semaphore(%dma_wait3A_182 : memref<!tpu.dma_semaphore, #tpu.memory_space<semaphore_mem>>) src(%dma_wait3A_190 : memref<72x64xf32, #tpu.memory_space<vmem>>) dst(%dma_wait3A_186 : memref<72x64xf32, #tpu.memory_space<hbm>>)
    %div3A_191 = arith.constant 252 : i32
    %div3A_192 = arith.constant 2 : i32
    %div3A_193 = arith.divsi %div3A_191, %div3A_192 : i32
    %mul3A_194 = arith.constant 128 : i32
    %mul3A_195 = arith.muli %add3A, %mul3A_194 : i32
    %add3A_196 = arith.addi %mul3A_195, %div3A_193 : i32
    %dma_wait3A_197 = arith.constant 4 : i32
    %dma_wait3A_198 = arith.constant 4 : i32
    %dma_wait3A_199 = arith.constant 0 : i32
    %dma_wait3A_200 = arith.constant 0 : i32
    %dma_wait3A_201 = tpu.memref_slice %arg6[%dma_wait3A_197, %dma_wait3A_199, %dma_wait3A_200] : memref<8x128x64xf32, #tpu.memory_space<vmem>> -> memref<1x128x64xf32, #tpu.memory_space<vmem>>
    %dma_wait3A_202 = tpu.memref_squeeze %dma_wait3A_201 : memref<1x128x64xf32, #tpu.memory_space<vmem>> -> memref<128x64xf32, #tpu.memory_space<vmem>>
    %dma_wait3A_203 = arith.constant 0 : i32
    %dma_wait3A_204 = arith.constant 0 : i32
    %dma_wait3A_205 = tpu.memref_slice %arg4[%add3A_196, %dma_wait3A_203, %dma_wait3A_204] : memref<4096x200x128xf32, #tpu.memory_space<hbm>> -> memref<1x128x64xf32, #tpu.memory_space<hbm>>
    %dma_wait3A_206 = tpu.memref_squeeze %dma_wait3A_205 : memref<1x128x64xf32, #tpu.memory_space<hbm>> -> memref<128x64xf32, #tpu.memory_space<hbm>>
    %dma_wait3A_207 = tpu.memref_slice %arg9[%dma_wait3A_198] : memref<8x!tpu.dma_semaphore, #tpu.memory_space<semaphore_mem>> -> memref<1x!tpu.dma_semaphore, #tpu.memory_space<semaphore_mem>>
    %dma_wait3A_208 = tpu.memref_squeeze %dma_wait3A_207 : memref<1x!tpu.dma_semaphore, #tpu.memory_space<semaphore_mem>> -> memref<!tpu.dma_semaphore, #tpu.memory_space<semaphore_mem>>
    %dma_wait3A_209 = arith.constant 0 : i32
    %dma_wait3A_210 = arith.constant 0 : i32
    %dma_wait3A_211 = tpu.memref_slice %arg4[%add3A_196, %dma_wait3A_209, %dma_wait3A_210] : memref<4096x200x128xf32, #tpu.memory_space<hbm>> -> memref<1x128x64xf32, #tpu.memory_space<hbm>>
    %dma_wait3A_212 = tpu.memref_squeeze %dma_wait3A_211 : memref<1x128x64xf32, #tpu.memory_space<hbm>> -> memref<128x64xf32, #tpu.memory_space<hbm>>
    %dma_wait3A_213 = arith.constant 0 : i32
    %dma_wait3A_214 = arith.constant 0 : i32
    %dma_wait3A_215 = tpu.memref_slice %arg6[%dma_wait3A_197, %dma_wait3A_213, %dma_wait3A_214] : memref<8x128x64xf32, #tpu.memory_space<vmem>> -> memref<1x128x64xf32, #tpu.memory_space<vmem>>
    %dma_wait3A_216 = tpu.memref_squeeze %dma_wait3A_215 : memref<1x128x64xf32, #tpu.memory_space<vmem>> -> memref<128x64xf32, #tpu.memory_space<vmem>>
    tpu.wait_dma2 semaphore(%dma_wait3A_208 : memref<!tpu.dma_semaphore, #tpu.memory_space<semaphore_mem>>) src(%dma_wait3A_216 : memref<128x64xf32, #tpu.memory_space<vmem>>) dst(%dma_wait3A_212 : memref<128x64xf32, #tpu.memory_space<hbm>>)
    %div3A_217 = arith.constant 253 : i32
    %div3A_218 = arith.constant 2 : i32
    %div3A_219 = arith.divsi %div3A_217, %div3A_218 : i32
    %mul3A_220 = arith.constant 128 : i32
    %mul3A_221 = arith.muli %add3A, %mul3A_220 : i32
    %add3A_222 = arith.addi %mul3A_221, %div3A_219 : i32
    %dma_wait3A_223 = arith.constant 5 : i32
    %dma_wait3A_224 = arith.constant 5 : i32
    %dma_wait3A_225 = arith.constant 0 : i32
    %dma_wait3A_226 = arith.constant 0 : i32
    %dma_wait3A_227 = tpu.memref_slice %arg6[%dma_wait3A_223, %dma_wait3A_225, %dma_wait3A_226] : memref<8x128x64xf32, #tpu.memory_space<vmem>> -> memref<1x72x64xf32, #tpu.memory_space<vmem>>
    %dma_wait3A_228 = tpu.memref_squeeze %dma_wait3A_227 : memref<1x72x64xf32, #tpu.memory_space<vmem>> -> memref<72x64xf32, #tpu.memory_space<vmem>>
    %dma_wait3A_229 = arith.constant 128 : i32
    %dma_wait3A_230 = arith.constant 0 : i32
    %dma_wait3A_231 = tpu.memref_slice %arg4[%add3A_222, %dma_wait3A_229, %dma_wait3A_230] : memref<4096x200x128xf32, #tpu.memory_space<hbm>> -> memref<1x72x64xf32, #tpu.memory_space<hbm>>
    %dma_wait3A_232 = tpu.memref_squeeze %dma_wait3A_231 : memref<1x72x64xf32, #tpu.memory_space<hbm>> -> memref<72x64xf32, #tpu.memory_space<hbm>>
    %dma_wait3A_233 = tpu.memref_slice %arg9[%dma_wait3A_224] : memref<8x!tpu.dma_semaphore, #tpu.memory_space<semaphore_mem>> -> memref<1x!tpu.dma_semaphore, #tpu.memory_space<semaphore_mem>>
    %dma_wait3A_234 = tpu.memref_squeeze %dma_wait3A_233 : memref<1x!tpu.dma_semaphore, #tpu.memory_space<semaphore_mem>> -> memref<!tpu.dma_semaphore, #tpu.memory_space<semaphore_mem>>
    %dma_wait3A_235 = arith.constant 128 : i32
    %dma_wait3A_236 = arith.constant 0 : i32
    %dma_wait3A_237 = tpu.memref_slice %arg4[%add3A_222, %dma_wait3A_235, %dma_wait3A_236] : memref<4096x200x128xf32, #tpu.memory_space<hbm>> -> memref<1x72x64xf32, #tpu.memory_space<hbm>>
    %dma_wait3A_238 = tpu.memref_squeeze %dma_wait3A_237 : memref<1x72x64xf32, #tpu.memory_space<hbm>> -> memref<72x64xf32, #tpu.memory_space<hbm>>
    %dma_wait3A_239 = arith.constant 0 : i32
    %dma_wait3A_240 = arith.constant 0 : i32
    %dma_wait3A_241 = tpu.memref_slice %arg6[%dma_wait3A_223, %dma_wait3A_239, %dma_wait3A_240] : memref<8x128x64xf32, #tpu.memory_space<vmem>> -> memref<1x72x64xf32, #tpu.memory_space<vmem>>
    %dma_wait3A_242 = tpu.memref_squeeze %dma_wait3A_241 : memref<1x72x64xf32, #tpu.memory_space<vmem>> -> memref<72x64xf32, #tpu.memory_space<vmem>>
    tpu.wait_dma2 semaphore(%dma_wait3A_234 : memref<!tpu.dma_semaphore, #tpu.memory_space<semaphore_mem>>) src(%dma_wait3A_242 : memref<72x64xf32, #tpu.memory_space<vmem>>) dst(%dma_wait3A_238 : memref<72x64xf32, #tpu.memory_space<hbm>>)
    %div3A_243 = arith.constant 254 : i32
    %div3A_244 = arith.constant 2 : i32
    %div3A_245 = arith.divsi %div3A_243, %div3A_244 : i32
    %mul3A_246 = arith.constant 128 : i32
    %mul3A_247 = arith.muli %add3A, %mul3A_246 : i32
    %add3A_248 = arith.addi %mul3A_247, %div3A_245 : i32
    %dma_wait3A_249 = arith.constant 6 : i32
    %dma_wait3A_250 = arith.constant 6 : i32
    %dma_wait3A_251 = arith.constant 0 : i32
    %dma_wait3A_252 = arith.constant 0 : i32
    %dma_wait3A_253 = tpu.memref_slice %arg6[%dma_wait3A_249, %dma_wait3A_251, %dma_wait3A_252] : memref<8x128x64xf32, #tpu.memory_space<vmem>> -> memref<1x128x64xf32, #tpu.memory_space<vmem>>
    %dma_wait3A_254 = tpu.memref_squeeze %dma_wait3A_253 : memref<1x128x64xf32, #tpu.memory_space<vmem>> -> memref<128x64xf32, #tpu.memory_space<vmem>>
    %dma_wait3A_255 = arith.constant 0 : i32
    %dma_wait3A_256 = arith.constant 0 : i32
    %dma_wait3A_257 = tpu.memref_slice %arg4[%add3A_248, %dma_wait3A_255, %dma_wait3A_256] : memref<4096x200x128xf32, #tpu.memory_space<hbm>> -> memref<1x128x64xf32, #tpu.memory_space<hbm>>
    %dma_wait3A_258 = tpu.memref_squeeze %dma_wait3A_257 : memref<1x128x64xf32, #tpu.memory_space<hbm>> -> memref<128x64xf32, #tpu.memory_space<hbm>>
    %dma_wait3A_259 = tpu.memref_slice %arg9[%dma_wait3A_250] : memref<8x!tpu.dma_semaphore, #tpu.memory_space<semaphore_mem>> -> memref<1x!tpu.dma_semaphore, #tpu.memory_space<semaphore_mem>>
    %dma_wait3A_260 = tpu.memref_squeeze %dma_wait3A_259 : memref<1x!tpu.dma_semaphore, #tpu.memory_space<semaphore_mem>> -> memref<!tpu.dma_semaphore, #tpu.memory_space<semaphore_mem>>
    %dma_wait3A_261 = arith.constant 0 : i32
    %dma_wait3A_262 = arith.constant 0 : i32
    %dma_wait3A_263 = tpu.memref_slice %arg4[%add3A_248, %dma_wait3A_261, %dma_wait3A_262] : memref<4096x200x128xf32, #tpu.memory_space<hbm>> -> memref<1x128x64xf32, #tpu.memory_space<hbm>>
    %dma_wait3A_264 = tpu.memref_squeeze %dma_wait3A_263 : memref<1x128x64xf32, #tpu.memory_space<hbm>> -> memref<128x64xf32, #tpu.memory_space<hbm>>
    %dma_wait3A_265 = arith.constant 0 : i32
    %dma_wait3A_266 = arith.constant 0 : i32
    %dma_wait3A_267 = tpu.memref_slice %arg6[%dma_wait3A_249, %dma_wait3A_265, %dma_wait3A_266] : memref<8x128x64xf32, #tpu.memory_space<vmem>> -> memref<1x128x64xf32, #tpu.memory_space<vmem>>
    %dma_wait3A_268 = tpu.memref_squeeze %dma_wait3A_267 : memref<1x128x64xf32, #tpu.memory_space<vmem>> -> memref<128x64xf32, #tpu.memory_space<vmem>>
    tpu.wait_dma2 semaphore(%dma_wait3A_260 : memref<!tpu.dma_semaphore, #tpu.memory_space<semaphore_mem>>) src(%dma_wait3A_268 : memref<128x64xf32, #tpu.memory_space<vmem>>) dst(%dma_wait3A_264 : memref<128x64xf32, #tpu.memory_space<hbm>>)
    %div3A_269 = arith.constant 255 : i32
    %div3A_270 = arith.constant 2 : i32
    %div3A_271 = arith.divsi %div3A_269, %div3A_270 : i32
    %mul3A_272 = arith.constant 128 : i32
    %mul3A_273 = arith.muli %add3A, %mul3A_272 : i32
    %add3A_274 = arith.addi %mul3A_273, %div3A_271 : i32
    %dma_wait3A_275 = arith.constant 7 : i32
    %dma_wait3A_276 = arith.constant 7 : i32
    %dma_wait3A_277 = arith.constant 0 : i32
    %dma_wait3A_278 = arith.constant 0 : i32
    %dma_wait3A_279 = tpu.memref_slice %arg6[%dma_wait3A_275, %dma_wait3A_277, %dma_wait3A_278] : memref<8x128x64xf32, #tpu.memory_space<vmem>> -> memref<1x72x64xf32, #tpu.memory_space<vmem>>
    %dma_wait3A_280 = tpu.memref_squeeze %dma_wait3A_279 : memref<1x72x64xf32, #tpu.memory_space<vmem>> -> memref<72x64xf32, #tpu.memory_space<vmem>>
    %dma_wait3A_281 = arith.constant 128 : i32
    %dma_wait3A_282 = arith.constant 0 : i32
    %dma_wait3A_283 = tpu.memref_slice %arg4[%add3A_274, %dma_wait3A_281, %dma_wait3A_282] : memref<4096x200x128xf32, #tpu.memory_space<hbm>> -> memref<1x72x64xf32, #tpu.memory_space<hbm>>
    %dma_wait3A_284 = tpu.memref_squeeze %dma_wait3A_283 : memref<1x72x64xf32, #tpu.memory_space<hbm>> -> memref<72x64xf32, #tpu.memory_space<hbm>>
    %dma_wait3A_285 = tpu.memref_slice %arg9[%dma_wait3A_276] : memref<8x!tpu.dma_semaphore, #tpu.memory_space<semaphore_mem>> -> memref<1x!tpu.dma_semaphore, #tpu.memory_space<semaphore_mem>>
    %dma_wait3A_286 = tpu.memref_squeeze %dma_wait3A_285 : memref<1x!tpu.dma_semaphore, #tpu.memory_space<semaphore_mem>> -> memref<!tpu.dma_semaphore, #tpu.memory_space<semaphore_mem>>
    %dma_wait3A_287 = arith.constant 128 : i32
    %dma_wait3A_288 = arith.constant 0 : i32
    %dma_wait3A_289 = tpu.memref_slice %arg4[%add3A_274, %dma_wait3A_287, %dma_wait3A_288] : memref<4096x200x128xf32, #tpu.memory_space<hbm>> -> memref<1x72x64xf32, #tpu.memory_space<hbm>>
    %dma_wait3A_290 = tpu.memref_squeeze %dma_wait3A_289 : memref<1x72x64xf32, #tpu.memory_space<hbm>> -> memref<72x64xf32, #tpu.memory_space<hbm>>
    %dma_wait3A_291 = arith.constant 0 : i32
    %dma_wait3A_292 = arith.constant 0 : i32
    %dma_wait3A_293 = tpu.memref_slice %arg6[%dma_wait3A_275, %dma_wait3A_291, %dma_wait3A_292] : memref<8x128x64xf32, #tpu.memory_space<vmem>> -> memref<1x72x64xf32, #tpu.memory_space<vmem>>
    %dma_wait3A_294 = tpu.memref_squeeze %dma_wait3A_293 : memref<1x72x64xf32, #tpu.memory_space<vmem>> -> memref<72x64xf32, #tpu.memory_space<vmem>>
    tpu.wait_dma2 semaphore(%dma_wait3A_286 : memref<!tpu.dma_semaphore, #tpu.memory_space<semaphore_mem>>) src(%dma_wait3A_294 : memref<72x64xf32, #tpu.memory_space<vmem>>) dst(%dma_wait3A_290 : memref<72x64xf32, #tpu.memory_space<hbm>>)
    return
  }
}

module attributes {stable_mosaic.version = 14 : i64} {
  func.func @_proj_body(%arg0: memref<1024x64xf32, #tpu.memory_space<vmem>>, %arg1: memref<64x64xf32, #tpu.memory_space<vmem>>, %arg2: memref<1x64xf32, #tpu.memory_space<vmem>>, %arg3: memref<1024x64xf32, #tpu.memory_space<vmem>>) attributes {dimension_semantics = [], scalar_prefetch = 0 : i64, scratch_operands = 0 : i64, tpu.core_type = #tpu.core_type<tc>} {
    %iota3A = tpu.iota {dimensions = array<i32: 0>} : vector<1024x1xi32>
    %eq3A = arith.constant 0 : i32
    %eq3A_0 = vector.broadcast %eq3A : i32 to vector<1024x1xi32>
    %eq3A_1 = arith.cmpi eq, %iota3A, %eq3A_0 : vector<1024x1xi32>
    %get3A = arith.constant 0 : index
    %get3A_2 = arith.constant 0 : index
    %get3A_3 = vector.load %arg0[%get3A, %get3A_2] : memref<1024x64xf32, #tpu.memory_space<vmem>>, vector<1024x64xf32>
    %jit3A = arith.constant 0.000000e+00 : f32
    %broadcast_in_dim3A = vector.shape_cast %eq3A_1 : vector<1024x1xi1> to vector<1024x1xi1>
    %broadcast_in_dim3A_4 = vector.broadcast %broadcast_in_dim3A : vector<1024x1xi1> to vector<1024x64xi1>
    %broadcast_in_dim3A_5 = vector.broadcast %jit3A : f32 to vector<1024x64xf32>
    %select_n3A = arith.select %broadcast_in_dim3A_4, %broadcast_in_dim3A_5, %get3A_3 : vector<1024x64xi1>, vector<1024x64xf32>
    %get3A_6 = arith.constant 0 : index
    %get3A_7 = arith.constant 0 : index
    %get3A_8 = vector.load %arg1[%get3A_6, %get3A_7] : memref<64x64xf32, #tpu.memory_space<vmem>>, vector<64x64xf32>
    %dot_general3A = arith.constant dense<0.000000e+00> : vector<1024x64xf32>
    %dot_general3A_9 = tpu.matmul %select_n3A, %get3A_8, %dot_general3A {dimension_numbers = #tpu.dot_dimension_numbers<[1], [1], [0], [0], [0, 0, 1, 0], [], []>, transpose_lhs_hint = false} : vector<1024x64xf32>, vector<64x64xf32>, vector<1024x64xf32> -> vector<1024x64xf32>
    %get3A_10 = arith.constant 0 : index
    %get3A_11 = arith.constant 0 : index
    %get3A_12 = vector.load %arg2[%get3A_10, %get3A_11] : memref<1x64xf32, #tpu.memory_space<vmem>>, vector<1x64xf32>
    %add3A = vector.broadcast %get3A_12 : vector<1x64xf32> to vector<1024x64xf32>
    %add3A_13 = arith.addf %dot_general3A_9, %add3A : vector<1024x64xf32>
    %tanh3A = math.tanh %add3A_13 : vector<1024x64xf32>
    %swap3A = arith.constant 0 : index
    %swap3A_14 = arith.constant 0 : index
    %swap3A_15 = vector.load %arg3[%swap3A, %swap3A_14] : memref<1024x64xf32, #tpu.memory_space<vmem>>, vector<1024x64xf32>
    tpu.vector_store %arg3[%swap3A, %swap3A_14], %tanh3A {strides = array<i32>} : memref<1024x64xf32, #tpu.memory_space<vmem>>, vector<1024x64xf32>,
    return
  }
}

</mosaic_0001>

<sc_bundles>
// kernel: kernel.4.cloned.1.call-start
scs
__scs_entry_jumppad:
0x0: {  	(pc) =	sbr.rel $0x88, $3  }
0x1: {  	(tag) =	ssettag $0x0;
	lr =	simm.s32 $0x1  }
0x2: {  	[smem:$0x3F9D] =	sst lr;
	_ =	strace $0xD0000000  }
0x3: {  	_ = 	snop  }
0x4: {  	_ = 	snop  }
0x5: {  	_ = 	snop  }
0x6: {  	_ = 	snop  }
0x7: {  	_ = 	snop  }
__scs_overlays_trampoline_lowered:
0x8: {  	[smem:$0x3FAC] =	sst s0  }
0x9: {  	[smem:$0x3FAD] =	sst s1  }
0xa: {  	[smem:$0x3FAE] =	sst s2  }
0xb: {  	[smem:$0x3FAF] =	sst s3  }
0xc: {  	[smem:$0x3FB0] =	sst s4  }
0xd: {  	[smem:$0x3FB1] =	sst s5  }
0xe: {  	[smem:$0x3FB2] =	sst s6  }
0xf: {  	[smem:$0x3FB3] =	sst s7  }
0x10: {  	[smem:$0x3FB4] =	sst s8  }
0x11: {  	[smem:$0x3FB5] =	sst s9;
	s0 =	simm.s32 @!p0 $0x0  }
0x12: {  	s1 =	sld [smem:$0x3F9B];
	s0 =	simm.s32 @p0 $0x1  }
0x13: {  	[smem:$0x3FB6] =	sst s0;
	s0 =	simm.s32 @!p1 $0x0  }
0x14: {  	s2 =	sld [smem:$0x3F9A];
	s0 =	simm.s32 @p1 $0x1  }
0x15: {  	[smem:$0x3FB7] =	sst s0;
	s0 =	simm.s32 @!p2 $0x0  }
0x16: {  	s3 =	sld [smem:$0x3FDB];
	s0 =	simm.s32 @p2 $0x1  }
0x17: {  	s4 =	simm.s32 $0x1BF5;
	[smem:$0x3FB9] =	sst s0  }
0x18: {  	s0 =	sld [smem:$0x3F9C];
	_ =	swait.ge [sflag:s4], $0x0  }
0x19: {  	s7 =	sld [smem:$0x3F9D]  }
0x1a: {  	s8 =	sadd.s32 $0xFFFFE003, lr  }
0x1b: {  	s9 =	sadd.s32 $0xFFFFFEF7, lr;
	s5 =	simm.s32 $0xFFFFFFFF;
	p2 =	slt.u32 s8, $0xFFFFF086  }
0x1c: {  	p1 =	slt.u32 s9, $0xF7A;
	s5 =	simm.s32 @!p2 $0x0  }
0x1d: {  	s5 =	simm.s32 @p1 $0x1;
	p0 =	seq.s32 s7, s2  }
0x1e: {  	s7 =	smul.u32 @!p0 $0xF7A, s2;
	p2 =	seq.s32 @!p0 s5, $0x0  }
0x1f: {  	s9 =	smul.u32 $0xF7A, s1;
	s8 =	simm.s32 @!p0 $0x1BF5;
	p2 =	por !p2, p0  }
0x20: {  	[sflag:s8] =	ssyncset.s32 @!p0 $0xFFFFF086;
	s6 =	sadd.s32 @!p0 s3, s7;
	s7 =	simm.s32 @!p0 $0x108  }
0x21: {  	s3 =	sadd.s32 s3, s9;
	s6 =	sadd.s32 @!p0 $0x88, s6;
	s7 =	simm.s32 @p2 $0x1082  }
0x22: {  	[simem:s7], [sflag:s8] =	dma.local @!p0 [hbm:s6], $0xF7A  }
0x23: {  	s9 =	sor.u32 $0xD0000000, s2;
	s6 =	simm.s32 $0x108;
	_ =	swait.ge @!p0 [sflag:s8], $0x0  }
0x24: {  	s3 =	sadd.s32 $0x88, s3;
	s6 =	simm.s32 @!p1 $0x1082;
	[sflag:s4] =	ssyncset.s32 $0xFFFFF086  }
0x25: {  	[simem:s6], [sflag:s4] =	dma.local [hbm:s3], $0xF7A  }
0x26: {  	[smem:$0x3F9D] =	sst s1;
	(tag) =	ssettag s2;
	_ =	strace s9  }
0x27: {  	s1 =	sld [smem:$0x3FAD]  }
0x28: {  	s2 =	sld [smem:$0x3FAE]  }
0x29: {  	s4 =	sld [smem:$0x3FB0]  }
0x2a: {  	p0 =	seq.s32 s5, $0x0;
	s5 =	sld [smem:$0x3FB1]  }
0x2b: {  	s6 =	sld [smem:$0x3FB2]  }
0x2c: {  	s7 =	sld [smem:$0x3FB3]  }
0x2d: {  	s3 =	simm.s32 $0x108;
	s8 =	sld [smem:$0x3FB4]  }
0x2e: {  	s3 =	simm.s32 @!p0 $0x1082;
	s9 =	sld [smem:$0x3FB5]  }
0x2f: {  	lr =	sadd.s32 s0, s3;
	s0 =	sld [smem:$0x3FAC]  }
0x30: {  	s3 =	sld [smem:$0x3FAF]  }
0x31: {  	[smem:$0x3FB8] =	sst s10  }
0x32: {  	s10 =	sld [smem:$0x3FB6];
	_ =	sdelay $0x3  }
0x33: {  	p0 =	seq.s32 s10, $0x1;
	s10 =	sld [smem:$0x3FB8];
	_ =	sdelay $0x3  }
0x34: {  	[smem:$0x3FB8] =	sst s10  }
0x35: {  	s10 =	sld [smem:$0x3FB7];
	_ =	sdelay $0x3  }
0x36: {  	p1 =	seq.s32 s10, $0x1;
	s10 =	sld [smem:$0x3FB8];
	_ =	sdelay $0x3  }
0x37: {  	[smem:$0x3FB8] =	sst s10  }
0x38: {  	s10 =	sld [smem:$0x3FB9]  }
0x39: {  	_ = 	snop;
	(pc) =	sbr.ind lr, $3  }
0x3a: {  	_ = 	snop  }
0x3b: {  	_ = 	snop  }
0x3c: {  	p2 =	seq.s32 s10, $0x1;
	s10 =	sld [smem:$0x3FB8]  }
0x3d: {  	_ =	shalt  }
0x3e: {  	_ =	shalt  }
0x3f: {  	_ =	shalt  }
0x40: {  	_ =	shalt  }
0x41: {  	_ =	shalt  }
0x42: {  	_ =	shalt  }
0x43: {  	_ =	shalt  }
0x44: {  	_ =	shalt  }
0x45: {  	_ =	shalt  }
0x46: {  	_ =	shalt  }
0x47: {  	_ =	shalt  }
0x48: {  	_ =	shalt  }
0x49: {  	_ =	shalt  }
0x4a: {  	_ =	shalt  }
0x4b: {  	_ =	shalt  }
0x4c: {  	_ =	shalt  }
0x4d: {  	_ =	shalt  }
0x4e: {  	_ =	shalt  }
0x4f: {  	_ =	shalt  }
0x50: {  	_ =	shalt  }
0x51: {  	_ =	shalt  }
0x52: {  	_ =	shalt  }
0x53: {  	_ =	shalt  }
0x54: {  	_ =	shalt  }
0x55: {  	_ =	shalt  }
0x56: {  	_ =	shalt  }
0x57: {  	_ =	shalt  }
0x58: {  	_ =	shalt  }
0x59: {  	_ =	shalt  }
0x5a: {  	_ =	shalt  }
0x5b: {  	_ =	shalt  }
0x5c: {  	_ =	shalt  }
0x5d: {  	_ =	shalt  }
0x5e: {  	_ =	shalt  }
0x5f: {  	_ =	shalt  }
0x60: {  	_ =	shalt  }
0x61: {  	_ =	shalt  }
0x62: {  	_ =	shalt  }
0x63: {  	_ =	shalt  }
0x64: {  	_ =	shalt  }
0x65: {  	_ =	shalt  }
0x66: {  	_ =	shalt  }
0x67: {  	_ =	shalt  }
0x68: {  	_ =	shalt  }
0x69: {  	_ =	shalt  }
0x6a: {  	_ =	shalt  }
0x6b: {  	_ =	shalt  }
0x6c: {  	_ =	shalt  }
0x6d: {  	_ =	shalt  }
0x6e: {  	_ =	shalt  }
0x6f: {  	_ =	shalt  }
0x70: {  	_ =	shalt  }
0x71: {  	_ =	shalt  }
0x72: {  	_ =	shalt  }
0x73: {  	_ =	shalt  }
0x74: {  	_ =	shalt  }
0x75: {  	_ =	shalt  }
0x76: {  	_ =	shalt  }
0x77: {  	_ =	shalt  }
0x78: {  	_ =	shalt  }
0x79: {  	_ =	shalt  }
0x7a: {  	_ =	shalt  }
0x7b: {  	_ =	shalt  }
0x7c: {  	_ =	shalt  }
0x7d: {  	_ =	shalt  }
0x7e: {  	_ =	shalt  }
0x7f: {  	_ =	shalt  }
0x80: {  	_ =	shalt  }
0x81: {  	_ =	shalt  }
0x82: {  	_ =	shalt  }
0x83: {  	_ =	shalt  }
0x84: {  	_ =	shalt  }
0x85: {  	_ =	shalt  }
0x86: {  	_ =	shalt  }
0x87: {  	_ =	shalt  }
.Lfunc_end0:
.L_simem_size_0:
called_computation.1_lowered:
.L_overlay_start_0:
0x88: {  	s2 =	sld [smem:$0x3FD9]  }
0x89: {  	s3 =	sld [smem:$0x3FFE];
	_ =	sdelay $0x1  }
0x8a: {  	s1 =	srdreg.scid  }
0x8b: {  	s0 =	sand.u32 $0x1, s1  }
0x8c: {  	s17 =	sshll.u32 s0, $0xA;
	s2 =	sadd.s32 s3, s2  }
0x8d: {  	s2 =	sadd.s32 s2, s17  }
0x8e: {  	[smem:$0x3FC4] =	sst s2  }
0x8f: {  	_ = 	snop  }
0x90: {  	s2 =	sld [smem:$0x3FD0];
	(tm) =	ssettm $0x1  }
0x91: {  	s18 =	sld [smem:$0x3FFB];
	_ =	sdelay $0x3  }
0x92: {  	_ =	strace s18  }
0x93: {  	s3 =	sld [smem:$0x3FFC];
	_ =	sdelay $0x3  }
0x94: {  	_ =	strace s3  }
0x95: {  	s3 =	sld [smem:$0x3FFD];
	_ =	sdelay $0x3  }
0x96: {  	_ =	strace s3  }
0x97: {  	_ =	strace $0x8FFFFFFF  }
0x98: {  	s19 =	sld [smem:$0x3FDB];
	_ =	sdelay $0x1  }
0x99: {  	s4 =	simm.s32 $_scs_section_size  }
0x9a: {  	s5 =	simm.s32 $_size__tile_overlayer_lowered;
	s6 =	simm.s32 $_tile_overlayer_lowered  }
0x9b: {  	s22 =	simm.s32 $0x1BFF;
	s21 =	sshll.u32 s6, $0x1;
	s3 =	sadd.s32 s4, s19  }
0x9c: {  	s7 =	simm.s32 $0x0;
	s20 =	sshll.u32 s5, $0x1;
	s5 =	sadd.s32 s21, s3  }
0x9d: {  	[timem:s7], [sflag:s22] =	dma.local [hbm:s5], s20  }
0x9e: {  	_ =	swait.ge [sflag:s22], s20  }
0x9f: {  	s4 =	ssub.s32 $0x0, s20;
	[sflag:s22] =	ssyncset.done $0x0  }
0xa0: {  	[sflag:s22] =	ssyncadd.s32 s4;
	_ =	sdelay $0x1  }
0xa1: {  	s23 =	simm.s32 $0x1B8B  }
0xa2: {  	_ =	swait.ge [sflag:s23], $0x1  }
0xa3: {  	[sflag:s23] =	ssyncset.done $0x0  }
0xa4: {  	s25 =	simm.s32 $0x1B8E;
	s24 =	sld [smem:$0x3FFE];
	[sflag:s23] =	ssyncadd.s32 $0xFFFFFFFF  }
0xa5: {  	s26 =	simm.s32 $execute0_lowered;
	[smem:$0x3FD2] =	sst s25  }
0xa6: {  	s5 =	sshll.u32 s26, $0x1;
	_ =	strace $0x80000046;
	[dreg:$0x1] =	wrdreg $0xFFFFFFFF  }
0xa7: {  	s28 =	simm.s32 $_size_execute0_lowered;
	s3 =	sadd.s32 s3, s5;
	[dreg:$0x0] =	wrdreg $0x0  }
0xa8: {  	s5 =	sshll.u32 s28, $0x1;
	[dreg:$0x2] =	wrdreg s3  }
0xa9: {  	[dreg:$0x3] =	wrdreg s5  }
0xaa: {  	[dreg:$0x4] =	wrdreg $0xC0  }
0xab: {  	_ =	task [dreg:s7], $0x5FFFF  }
0xac: {  	[dreg:$0x1] =	wrdreg $0xFFFFFFFF  }
0xad: {  	[dreg:$0x0] =	wrdreg $0x60  }
0xae: {  	[dreg:$0x2] =	wrdreg s2  }
0xaf: {  	[dreg:$0x3] =	wrdreg s24  }
0xb0: {  	[dreg:$0x4] =	wrdreg $0x180000  }
0xb1: {  	[dreg:$0x5] =	wrdreg $0x9  }
0xb2: {  	_ =	task.clear_ibuf [dreg:s7], $0x6FFFF;
	_ =	strace $0x90000046  }
0xb3: {  	s29 =	simm.s32 $0x9;
	_ =	strace $0x80000048  }
0xb4: {  	_ =	swait.ge [sflag:s29], $0x1  }
0xb5: {  	[sflag:s29] =	ssyncadd.s32 $0xFFFFFFFF  }
0xb6: {  	_ =	strace $0x90000048  }
0xb7: {  	_ =	sfence  }
0xb8: {  	s30 =	sld [smem:$0x0];
	_ =	sdelay $0x2  }
0xb9: {  	s31 =	sshll.u32 s1, $0xD;
	s1 =	sshrl.u32 s1, $0x2  }
0xba: {  	s3 =	sand.u32 $0x4000, s31;
	s1 =	sadd.s32 s1, s30  }
0xbb: {  	s0 =	sor.u32 s3, s0;
	s1 =	sshll.u32 s1, $0x11  }
0xbc: {  	s0 =	sor.u32 s1, s0  }
0xbd: {  	s0 =	sadd.s32 $0x8F2B, s0  }
0xbe: {  	[sflag:s0] =	ssyncadd.remote.s32 $0x1  }
0xbf: {  	_ =	sfence.sel $0xFFFF  }
0xc0: {  	[dreg:$0x0] =	wrdreg $0xFFFFFFFF;
	(pc) =	sbr.abs _section_cstart, $3  }
0xc1: {  	[dreg:$0x1] =	wrdreg $0xFFFFFFFF  }
0xc2: {  	_ =	task.clear_ibuf [dreg:s7], $0x2FFFF;
	_ =	strace $0x9FFFFFFF  }
0xc3: {  	(tm) =	ssettm $0x7FFFFFFF  }
tec
execute0_lowered:
.L_overlay_start_1:
0x0: {  	(tag) =	ssettag $0x1  }
0x1: {  	s0 =	rddreg [dreg:$0x0]  }
0x2: {  	s2 =	rddreg [dreg:$0x1]  }
0x3: {  	s1 =	rddreg [dreg:$0x2]  }
0x4: {  	s3 =	simm.s32 $0x0;
	s18 =	srdreg.scid;
	s4 =	stileid.u32  }
0x5: {  	s14 =	simm.s32 $0x80;
	s16 =	simm.s32 $0x48;
	s28 =	simm.s32 $0x3  }
0x6: {  	s29 =	simm.s32 $0x14000;
	s30 =	simm.s32 $0x4;
	s31 =	simm.s32 $0x16000  }
0x7: {  	[smem:$0x7FF] =	sst s3;
	s3 =	sand.u32 $0x1, s18;
	s5 =	sadd.s32 $0xC00, s2  }
0x8: {  	s6 =	smul.u32 $0x640000, s4;
	s2 =	sadd.s32 $0x2C00, s2;
	s21 =	sshll.u32 s4, $0xD  }
0x9: {  	s22 =	smul.u32 $0xC8000, s4;
	p0 =	sne.s32 s4, $0x0;
	s18 =	simm.s32 $0x6  }
0xa: {  	_ =	strace $0x80000047;
	[dreg:$0x4] =	wrdreg s5;
	s19 =	ssub.s32 $0x2, s3  }
0xb: {  	[dreg:$0x5] =	wrdreg s2;
	s7 =	smul.u32 $0x320000, s3;
	s8 =	sshll.u32 s3, $0xC  }
0xc: {  	s3 =	smul.u32 $0x64000, s3;
	s20 =	sshrl.u32 s19, $0x1;
	s5 =	sor.u32 s8, s21  }
0xd: {  	s21 =	simm.s32 $0xE000;
	s2 =	ssub.s32 s19, s20;
	s6 =	sadd.s32 s7, s6  }
0xe: {  	s0 =	sadd.s32 s0, s5;
	s8 =	sadd.s32 s3, s22;
	s22 =	simm.s32 $0x1  }
0xf: {  	s20 =	simm.s32 $0x7;
	s5 =	simm.s32 $0x0;
	[dreg:$0x6] =	wrdreg s0  }
0x10: {  	s23 =	sor.u32 $0x16C00, s6;
	s2 =	smax.u32 s2, $0x1;
	s24 =	sor.u32 $0x10800, s6  }
0x11: {  	s25 =	sor.u32 $0xA400, s6;
	s26 =	sor.u32 $0x4000, s6;
	s6 =	simm.s32 $0xC  }
.Ltmp0:
0x12: {  	[dreg:$0x7] =	wrdreg s2;
	s0 =	sshrl.u32 s23, $0x3;
	(pc) =	sbr.rel .LBB2_1-.Ltmp0, $4  }
0x13: {  	s9 =	sshrl.u32 s24, $0x3;
	s10 =	sshrl.u32 s25, $0x3;
	s11 =	sshrl.u32 s26, $0x3  }
0x14: {  	s23 =	simm.s32 $0x40;
	s24 =	simm.s32 $0x10000;
	s25 =	simm.s32 $0x2  }
0x15: {  	s26 =	simm.s32 $0x12000;
	[dreg:$0x8] =	wrdreg s0;
	s0 =	sshrl.u32 @!p0 s1, $0x3  }
0x16: {  	s2 =	simm.s32 $0x8;
	[dreg:$0x9] =	wrdreg s0;
	s0 =	simm.s32 $0x5  }
.LBB2_4:
0x17: {  	s3 =	simm.s32 $0x9  }
0x18: {  	_ =	swait.ge [sflag:s3], $0x2000  }
0x19: {  	[sflag:s3] =	ssyncset.done $0x0  }
0x1a: {  	s7 =	simm.s32 $0xA;
	[sflag:s3] =	ssyncadd.s32 $0xFFFFE000  }
0x1b: {  	_ =	swait.ge [sflag:s7], $0x1200  }
0x1c: {  	[sflag:s7] =	ssyncset.done $0x0  }
0x1d: {  	s12 =	simm.s32 $0xB;
	[sflag:s7] =	ssyncadd.s32 $0xFFFFEE00  }
0x1e: {  	_ =	swait.ge [sflag:s12], $0x2000  }
0x1f: {  	[sflag:s12] =	ssyncset.done $0x0  }
0x20: {  	[sflag:s12] =	ssyncadd.s32 $0xFFFFE000  }
0x21: {  	_ =	swait.ge [sflag:s6], $0x1200  }
0x22: {  	[sflag:s6] =	ssyncset.done $0x0  }
0x23: {  	s13 =	simm.s32 $0xD;
	[sflag:s6] =	ssyncadd.s32 $0xFFFFEE00  }
0x24: {  	_ =	swait.ge [sflag:s13], $0x2000  }
0x25: {  	[sflag:s13] =	ssyncset.done $0x0  }
0x26: {  	s15 =	simm.s32 $0xE;
	[sflag:s13] =	ssyncadd.s32 $0xFFFFE000  }
0x27: {  	_ =	swait.ge [sflag:s15], $0x1200  }
0x28: {  	[sflag:s15] =	ssyncset.done $0x0  }
0x29: {  	s17 =	simm.s32 $0xF;
	[sflag:s15] =	ssyncadd.s32 $0xFFFFEE00  }
0x2a: {  	_ =	swait.ge [sflag:s17], $0x2000  }
0x2b: {  	[sflag:s17] =	ssyncset.done $0x0  }
0x2c: {  	s4 =	simm.s32 $0x10;
	[sflag:s17] =	ssyncadd.s32 $0xFFFFE000  }
0x2d: {  	_ =	swait.ge [sflag:s4], $0x1200  }
0x2e: {  	s5 =	rddreg [dreg:$0xa]  }
0x2f: {  	s19 =	rddreg [dreg:$0x7];
	s5 =	sadd.s32 $0x1, s5  }
0x30: {  	p1 =	sne.s32 s5, s19  }
.Ltmp1:
0x31: {  	_ = 	snop;
	(pc) =	sbr.rel @!p1 .LBB2_5-.Ltmp1, $3  }
0x32: {  	_ =	sdelay $0x1  }
0x33: {  	[sflag:s4] =	ssyncset.done $0x0  }
0x34: {  	[sflag:s4] =	ssyncadd.s32 $0xFFFFEE00  }
.LBB2_1:
0x35: {  	[dreg:$0xa] =	wrdreg s5  }
0x36: {  	s4 =	rddreg [dreg:$0x4]  }
0x37: {  	s3 =	simm.s32 @!p0 $0x1C11;
	s5 =	rddreg [dreg:$0x9]  }
0x38: {  	[spmem:s5], [sflag:s3] =	dma.local @!p0 [hbm:s4], $0x2000  }
0x39: {  	s3 =	simm.s32 @!p0 $0x11  }
0x3a: {  	_ =	swait.ge @!p0 [sflag:s3], $0x2000  }
0x3b: {  	s19 =	simm.s32 $0x0;
	[sflag:s3] =	ssyncset.done @!p0 $0x0  }
0x3c: {  	s7 =	simm.s32 $0x11;
	s5 =	rddreg [dreg:$0x6];
	[sflag:s3] =	ssyncadd.s32 @!p0 $0xFFFFE000  }
0x3d: {  	[tilespmem:s19], [sflag:$0x11] =	stream.linear.gather [hbm4b:s5+s19], $0x8000, $0x38;
	[tilespmem:$0x19000] =	vst v63  }
0x3e: {  	_ =	swait.ge [sflag:s7], $0x8000  }
0x3f: {  	[sflag:s7] =	ssyncset.done $0x0  }
0x40: {  	[sflag:s7] =	ssyncadd.s32 $0xFFFF8000  }
0x41: {  	s12 =	simm.s32 $0x8000;
	[bflag:$0x0] =	sbarrier.arrive $0xFFFF  }
0x42: {  	[tilespmem:s12], [sflag:$0x1] =	stream.indirect.gather [spmem:s1], $0x40, s19, s14, $0xb8;
	[tilespmem:$0x19000] =	vst v63  }
0x43: {  	s13 =	simm.s32 $0xA000  }
0x44: {  	[tilespmem:s13], [sflag:$0x2] =	stream.indirect.gather [spmem:s1], $0x40, s14, s16, $0xb8;
	[tilespmem:$0x19000] =	vst v63  }
0x45: {  	s15 =	simm.s32 $0x100;
	s17 =	simm.s32 $0xC000  }
0x46: {  	[tilespmem:s17], [sflag:$0x3] =	stream.indirect.gather [spmem:s1], $0x40, s15, s14, $0xb8;
	[tilespmem:$0x19000] =	vst v63  }
0x47: {  	s19 =	simm.s32 $0x180;
	s12 =	rddreg [dreg:$0x5];
	s13 =	simm.s32 $0x0  }
0x48: {  	[tilespmem:s21], [sflag:$0x4] =	stream.indirect.gather [spmem:s1], $0x40, s19, s16, $0xb8;
	[tilespmem:$0x19000] =	vst v63  }
.LBB2_2:
0x49: {  	_ =	swait.ge [sflag:s22], $0x2000  }
0x4a: {  	s4 =	sadd.s32 s12, s8;
	p1 =	seq.s32 s13, $0x0;
	[sflag:s22] =	ssyncset.done $0x0  }
0x4b: {  	s3 =	simm.s32 $0x8000;
	s5 =	simm.s32 @!p1 $0xD;
	[sflag:s22] =	ssyncadd.s32 $0xFFFFE000  }
0x4c: {  	[hbm4b:s4+s23] =	stream.strided.scatter [tilespmem:s3], [sflag:$0x9], $0x2000, s14, s23, $0x38;
	[tilespmem:$0x19000] =	vst v63  }
0x4d: {  	_ =	swait.ge @!p1 [sflag:s5], $0x2000  }
0x4e: {  	s3 =	sshra.s32 s13, $0x2;
	[sflag:s5] =	ssyncset.done @!p1 $0x0  }
0x4f: {  	s17 =	sadd.s32 $0x200, s3;
	[sflag:s5] =	ssyncadd.s32 @!p1 $0xFFFFE000  }
0x50: {  	[tilespmem:s24], [sflag:$0x5] =	stream.indirect.gather [spmem:s1], $0x40, s17, s14, $0xb8;
	[tilespmem:$0x19000] =	vst v63  }
0x51: {  	_ =	swait.ge [sflag:s25], $0x1200  }
0x52: {  	s19 =	sadd.s32 s12, s11;
	[sflag:s25] =	ssyncset.done $0x0  }
0x53: {  	s7 =	simm.s32 $0xA000;
	s5 =	simm.s32 @!p1 $0xE;
	[sflag:s25] =	ssyncadd.s32 $0xFFFFEE00  }
0x54: {  	[hbm4b:s19+s23] =	stream.strided.scatter [tilespmem:s7], [sflag:$0xA], $0x1200, s14, s23, $0x38;
	[tilespmem:$0x19000] =	vst v63  }
0x55: {  	_ =	swait.ge @!p1 [sflag:s5], $0x1200  }
0x56: {  	[sflag:s5] =	ssyncset.done @!p1 $0x0  }
0x57: {  	s15 =	sadd.s32 $0x280, s3;
	[sflag:s5] =	ssyncadd.s32 @!p1 $0xFFFFEE00  }
0x58: {  	[tilespmem:s26], [sflag:$0x6] =	stream.indirect.gather [spmem:s1], $0x40, s15, s16, $0xb8;
	[tilespmem:$0x19000] =	vst v63  }
0x59: {  	_ =	swait.ge [sflag:s28], $0x2000  }
0x5a: {  	s17 =	sadd.s32 $0xC80, s4;
	[sflag:s28] =	ssyncset.done $0x0  }
0x5b: {  	s19 =	simm.s32 $0xC000;
	s5 =	simm.s32 @!p1 $0xF;
	[sflag:s28] =	ssyncadd.s32 $0xFFFFE000  }
0x5c: {  	[hbm4b:s17+s23] =	stream.strided.scatter [tilespmem:s19], [sflag:$0xB], $0x2000, s14, s23, $0x38;
	[tilespmem:$0x19000] =	vst v63  }
0x5d: {  	_ =	swait.ge @!p1 [sflag:s5], $0x2000  }
0x5e: {  	[sflag:s5] =	ssyncset.done @!p1 $0x0  }
0x5f: {  	s7 =	sadd.s32 $0x300, s3;
	[sflag:s5] =	ssyncadd.s32 @!p1 $0xFFFFE000  }
0x60: {  	[tilespmem:s29], [sflag:$0x7] =	stream.indirect.gather [spmem:s1], $0x40, s7, s14, $0xb8;
	[tilespmem:$0x19000] =	vst v63  }
0x61: {  	_ =	swait.ge [sflag:s30], $0x1200  }
0x62: {  	[sflag:s30] =	ssyncset.done $0x0  }
0x63: {  	s15 =	sadd.s32 s12, s10;
	s5 =	simm.s32 @!p1 $0x10;
	[sflag:s30] =	ssyncadd.s32 $0xFFFFEE00  }
0x64: {  	[hbm4b:s15+s23] =	stream.strided.scatter [tilespmem:s21], [sflag:$0xC], $0x1200, s14, s23, $0x38;
	[tilespmem:$0x19000] =	vst v63  }
0x65: {  	_ =	swait.ge @!p1 [sflag:s5], $0x1200  }
0x66: {  	[sflag:s5] =	ssyncset.done @!p1 $0x0  }
0x67: {  	s17 =	sadd.s32 $0x380, s3;
	[sflag:s5] =	ssyncadd.s32 @!p1 $0xFFFFEE00  }
0x68: {  	[tilespmem:s31], [sflag:$0x8] =	stream.indirect.gather [spmem:s1], $0x40, s17, s16, $0xb8;
	[tilespmem:$0x19000] =	vst v63  }
0x69: {  	_ =	swait.ge [sflag:s0], $0x2000  }
0x6a: {  	p1 =	seq.s32 s13, $0x1F000;
	[sflag:s0] =	ssyncset.done $0x0  }
0x6b: {  	s19 =	sadd.s32 $0x1900, s4;
	s5 =	simm.s32 @!p1 $0x9;
	[sflag:s0] =	ssyncadd.s32 $0xFFFFE000  }
0x6c: {  	[hbm4b:s19+s23] =	stream.strided.scatter [tilespmem:s24], [sflag:$0xD], $0x2000, s14, s23, $0x38;
	[tilespmem:$0x19000] =	vst v63  }
0x6d: {  	_ =	swait.ge @!p1 [sflag:s5], $0x2000  }
0x6e: {  	[sflag:s5] =	ssyncset.done @!p1 $0x0  }
0x6f: {  	[sflag:s5] =	ssyncadd.s32 @!p1 $0xFFFFE000;
	s5 =	sshra.s32 @!p1 s13, $0x2  }
0x70: {  	s17 =	simm.s32 @!p1 $0x80;
	s19 =	simm.s32 @!p1 $0x8000;
	s15 =	sadd.s32 @!p1 $0x400, s5  }
0x71: {  	[tilespmem:s19], [sflag:$0x1] =	stream.indirect.gather @!p1 [spmem:s1], $0x40, s15, s17, $0xb8;
	[tilespmem:$0x19000] =	vst v63  }
0x72: {  	_ =	swait.ge [sflag:s18], $0x1200  }
0x73: {  	[sflag:s18] =	ssyncset.done $0x0  }
0x74: {  	s7 =	sadd.s32 s12, s9;
	s15 =	simm.s32 @!p1 $0xA;
	[sflag:s18] =	ssyncadd.s32 $0xFFFFEE00  }
0x75: {  	[hbm4b:s7+s23] =	stream.strided.scatter [tilespmem:s26], [sflag:$0xE], $0x1200, s14, s23, $0x38;
	[tilespmem:$0x19000] =	vst v63  }
0x76: {  	_ =	swait.ge @!p1 [sflag:s15], $0x1200  }
0x77: {  	s19 =	simm.s32 @!p1 $0x48;
	[sflag:s15] =	ssyncset.done @!p1 $0x0  }
0x78: {  	s7 =	simm.s32 @!p1 $0xA000;
	[sflag:s15] =	ssyncadd.s32 @!p1 $0xFFFFEE00;
	s15 =	sadd.s32 @!p1 $0x480, s5  }
0x79: {  	[tilespmem:s7], [sflag:$0x2] =	stream.indirect.gather @!p1 [spmem:s1], $0x40, s15, s19, $0xb8;
	[tilespmem:$0x19000] =	vst v63  }
0x7a: {  	_ =	swait.ge [sflag:s20], $0x2000  }
0x7b: {  	[sflag:s20] =	ssyncset.done $0x0  }
0x7c: {  	s4 =	sadd.s32 $0x2580, s4;
	[sflag:s20] =	ssyncadd.s32 $0xFFFFE000  }
0x7d: {  	[hbm4b:s4+s23] =	stream.strided.scatter [tilespmem:s29], [sflag:$0xF], $0x2000, s14, s23, $0x38;
	[tilespmem:$0x19000] =	vst v63  }
0x7e: {  	s4 =	simm.s32 @!p1 $0xB  }
0x7f: {  	_ =	swait.ge @!p1 [sflag:s4], $0x2000  }
0x80: {  	[sflag:s4] =	ssyncset.done @!p1 $0x0  }
0x81: {  	[sflag:s4] =	ssyncadd.s32 @!p1 $0xFFFFE000;
	s4 =	sadd.s32 @!p1 $0x500, s5;
	s5 =	simm.s32 @!p1 $0xC000  }
0x82: {  	[tilespmem:s5], [sflag:$0x3] =	stream.indirect.gather @!p1 [spmem:s1], $0x40, s4, s17, $0xb8;
	[tilespmem:$0x19000] =	vst v63  }
.Ltmp2:
0x83: {  	_ = 	snop;
	(pc) =	sbr.rel @p1 .LBB2_4-.Ltmp2, $4  }
0x84: {  	_ =	swait.ge [sflag:s2], $0x1200  }
0x85: {  	[sflag:s2] =	ssyncset.done $0x0;
	s19 =	rddreg [dreg:$0x8]  }
0x86: {  	[sflag:s2] =	ssyncadd.s32 $0xFFFFEE00;
	s4 =	sadd.s32 s12, s19  }
0x87: {  	[hbm4b:s4+s23] =	stream.strided.scatter [tilespmem:s31], [sflag:$0x10], $0x1200, s14, s23, $0x38;
	[tilespmem:$0x19000] =	vst v63  }
.Ltmp3:
0x88: {  	(pc) =	sbr.rel .LBB2_2-.Ltmp3, $4  }
0x89: {  	_ =	swait.ge [sflag:s6], $0x1200  }
0x8a: {  	s3 =	sadd.s32 $0x580, s3;
	[sflag:s6] =	ssyncset.done $0x0  }
0x8b: {  	s13 =	sadd.s32 $0x1000, s13;
	s12 =	sadd.s32 $0x3200, s12;
	[sflag:s6] =	ssyncadd.s32 $0xFFFFEE00  }
0x8c: {  	[tilespmem:s21], [sflag:$0x4] =	stream.indirect.gather [spmem:s1], $0x40, s3, s16, $0xb8;
	[tilespmem:$0x19000] =	vst v63  }
.LBB2_5:
0x8d: {  	_ =	sfence.sel $0x180000  }
0x8e: {  	[bflag:$0x0] =	sbarrier.arrive $0xFFFF  }
0x8f: {  	_ =	strace $0x90000047  }
0x90: {  	[bflag:$0x2] =	sbarrier.arrive $0xFFFF  }
0x91: {  	s0 =	rddreg [dreg:$0x3]  }
0x92: {  	s0 =	sadd.s32 @!p0 $0x100000, s0  }
0x93: {  	[sflag:s0] =	ssyncadd.tile.s32 @!p0 $0x1;
	_ =	shalt  }
.Lfunc_end2:
_tile_overlayer_lowered:
.L_overlay_start_2:
0x94: {  	(tag) =	ssettag $0x2  }
0x95: {  	s0 =	rddreg [dreg:$0x0];
	s2 =	stileid.u32  }
0x96: {  	s1 =	rddreg [dreg:$0x1];
	p0 =	sne.s32 s2, $0x0  }
0x97: {  	s3 =	rddreg [dreg:$0x2];
	[bflag:$0x3] =	sbarrier.arrive $0xFFFF;
	s2 =	simm.s32 @!p0 $0x1C11  }
0x98: {  	[timem:s3], [sflag:s2] =	dma.local @!p0 [hbm:s0], s1  }
0x99: {  	s0 =	simm.s32 @!p0 $0x11  }
0x9a: {  	_ =	swait.ge @!p0 [sflag:s0], s1  }
0x9b: {  	s1 =	ssub.s32 @!p0 $0x0, s1;
	[sflag:s0] =	ssyncset.done @!p0 $0x0  }
0x9c: {  	[sflag:s0] =	ssyncadd.s32 @!p0 s1  }
0x9d: {  	[bflag:$0x3] =	sbarrier.arrive $0xFFFF  }
0x9e: {  	_ =	shalt  }

// kernel: sparse-core-data-format-call.cloned.1.call-start
scs
called_computation_lowered:
.L_overlay_start_0:
0x0: {  	s2 =	sld [smem:$0x3FD9]  }
0x1: {  	s3 =	sld [smem:$0x3FFE];
	_ =	sdelay $0x1  }
0x2: {  	s1 =	srdreg.scid  }
0x3: {  	s0 =	sand.u32 $0x1, s1  }
0x4: {  	s18 =	sshll.u32 s0, $0xA;
	s2 =	sadd.s32 s3, s2  }
0x5: {  	s2 =	sadd.s32 s2, s18  }
0x6: {  	[smem:$0x3FC4] =	sst s2  }
0x7: {  	_ = 	snop  }
0x8: {  	s2 =	sld [smem:$0x3FD0];
	(tm) =	ssettm $0x1  }
0x9: {  	s19 =	sld [smem:$0x3FFB];
	_ =	sdelay $0x3  }
0xa: {  	_ =	strace s19  }
0xb: {  	s3 =	sld [smem:$0x3FFC];
	_ =	sdelay $0x3  }
0xc: {  	_ =	strace s3  }
0xd: {  	s3 =	sld [smem:$0x3FFD];
	_ =	sdelay $0x3  }
0xe: {  	_ =	strace s3  }
0xf: {  	_ =	strace $0x8FFFFFFF  }
0x10: {  	s20 =	sld [smem:$0x3FDB];
	_ =	sdelay $0x1  }
0x11: {  	s4 =	simm.s32 $_scs_section_size  }
0x12: {  	s5 =	simm.s32 $_size__tile_overlayer_lowered;
	s6 =	simm.s32 $_tile_overlayer_lowered  }
0x13: {  	s23 =	simm.s32 $0x1BFF;
	s22 =	sshll.u32 s6, $0x1;
	s3 =	sadd.s32 s4, s20  }
0x14: {  	s7 =	simm.s32 $0x0;
	s21 =	sshll.u32 s5, $0x1;
	s5 =	sadd.s32 s22, s3  }
0x15: {  	[timem:s7], [sflag:s23] =	dma.local [hbm:s5], s21  }
0x16: {  	_ =	swait.ge [sflag:s23], s21  }
0x17: {  	s4 =	ssub.s32 $0x0, s21;
	[sflag:s23] =	ssyncset.done $0x0  }
0x18: {  	[sflag:s23] =	ssyncadd.s32 s4;
	_ =	sdelay $0x1  }
0x19: {  	s24 =	simm.s32 $0x1B8B  }
0x1a: {  	_ =	swait.ge [sflag:s24], $0x1  }
0x1b: {  	[sflag:s24] =	ssyncset.done $0x0  }
0x1c: {  	s26 =	simm.s32 $0x1B8E;
	s25 =	sld [smem:$0x3FFE];
	[sflag:s24] =	ssyncadd.s32 $0xFFFFFFFF  }
0x1d: {  	s27 =	simm.s32 $execute0_lowered;
	[smem:$0x3FD2] =	sst s26  }
0x1e: {  	s5 =	sshll.u32 s27, $0x1;
	_ =	strace $0x80000049;
	[dreg:$0x1] =	wrdreg $0xFFFFFFFF  }
0x1f: {  	s28 =	simm.s32 $_size_execute0_lowered;
	s3 =	sadd.s32 s3, s5;
	[dreg:$0x0] =	wrdreg $0x0  }
0x20: {  	s5 =	sshll.u32 s28, $0x1;
	[dreg:$0x2] =	wrdreg s3  }
0x21: {  	[dreg:$0x3] =	wrdreg s5  }
0x22: {  	[dreg:$0x4] =	wrdreg $0xC0  }
0x23: {  	_ =	task [dreg:s7], $0x5FFFF  }
0x24: {  	[dreg:$0x1] =	wrdreg $0xFFFFFFFF  }
0x25: {  	[dreg:$0x0] =	wrdreg $0x60  }
0x26: {  	[dreg:$0x2] =	wrdreg s25  }
0x27: {  	[dreg:$0x3] =	wrdreg s2  }
0x28: {  	[dreg:$0x4] =	wrdreg $0x9  }
0x29: {  	_ =	task.clear_ibuf [dreg:s7], $0x5FFFF;
	_ =	strace $0x90000049  }
0x2a: {  	s29 =	simm.s32 $0x9;
	_ =	strace $0x8000004B  }
0x2b: {  	_ =	swait.ge [sflag:s29], $0x1  }
0x2c: {  	[sflag:s29] =	ssyncadd.s32 $0xFFFFFFFF  }
0x2d: {  	_ =	strace $0x9000004B  }
0x2e: {  	_ =	sfence  }
0x2f: {  	s30 =	sld [smem:$0x0];
	_ =	sdelay $0x2  }
0x30: {  	s31 =	sshll.u32 s1, $0xD;
	s1 =	sshrl.u32 s1, $0x2  }
0x31: {  	s3 =	sand.u32 $0x4000, s31;
	s1 =	sadd.s32 s1, s30  }
0x32: {  	s0 =	sor.u32 s3, s0;
	s1 =	sshll.u32 s1, $0x11  }
0x33: {  	s0 =	sor.u32 s1, s0  }
0x34: {  	s0 =	sadd.s32 $0x8F2B, s0  }
0x35: {  	[sflag:s0] =	ssyncadd.remote.s32 $0x1  }
0x36: {  	_ =	sfence.sel $0xFFFF  }
0x37: {  	[dreg:$0x0] =	wrdreg $0xFFFFFFFF;
	(pc) =	sbr.abs _section_cstart, $3  }
0x38: {  	[dreg:$0x1] =	wrdreg $0xFFFFFFFF  }
0x39: {  	_ =	task.clear_ibuf [dreg:s7], $0x2FFFF;
	_ =	strace $0x9FFFFFFF  }
0x3a: {  	(tm) =	ssettm $0x7FFFFFFF  }
0x3b: {  	_ =	shalt  }
tec
execute0_lowered:
.L_overlay_start_1:
0x0: {  	(tag) =	ssettag $0x1  }
0x1: {  	s0 =	srdreg.scid  }
0x2: {  	s1 =	sshll.u32 s0, $0x4  }
0x3: {  	s0 =	stileid.u32;
	s1 =	sand.u32 $0x10, s1  }
0x4: {  	s1 =	sor.u32 s0, s1  }
0x5: {  	s6 =	rddreg [dreg:$0x0];
	s4 =	simm.s32 $0x1;
	s2 =	sshll.u32 s1, $0x7  }
0x6: {  	s7 =	simm.s32 $0x2;
	s12 =	simm.s32 $0x0;
	s1 =	ssub.s32 $0x1000, s2  }
0x7: {  	s8 =	simm.s32 $0x8000;
	s13 =	simm.s32 $0x0;
	s3 =	sand.u32 $0xF80, s1  }
0x8: {  	s9 =	simm.s32 $0x0;
	s5 =	sshrl.u32 s1, $0xC;
	p0 =	sne.s32 s3, $0x0  }
.Ltmp0:
0x9: {  	s1 =	rddreg [dreg:$0x2];
	s4 =	simm.s32 @!p0 $0x0;
	(pc) =	sbr.rel .LBB1_1-.Ltmp0, $4  }
0xa: {  	s11 =	simm.s32 $0x0;
	s3 =	rddreg [dreg:$0x1];
	s5 =	sadd.s32 s4, s5  }
0xb: {  	_ =	strace $0x8000004A;
	s4 =	simm.s32 $0x1;
	s5 =	smul.u32 $0xC8, s5  }
0xc: {  	s6 =	sadd.s32 $0x2C00, s6;
	s10 =	smov.u32 s2;
	[sflag:s4] =	ssyncpa.u1 $0x0  }
0xd: {  	p0 =	por $0x0, $0x0;
	[sflag:s7] =	ssyncpa.u1 $0x0;
	s7 =	sor.u32 $0x1, s5  }
.LBB1_4:
0xe: {  	s16 =	sshll.u32 s13, $0x3;
	s17 =	sand.u32 $0x78, s13  }
0xf: {  	s30 =	sand.u32 $0x7E00, s13;
	s12 =	sshll.u32 s12, $0xF;
	s16 =	sand.u32 $0xC00, s16  }
0x10: {  	[tilespmem:s15+$0x810 ss:$0x81] =	vst.msk $0xffff, v2;
	s31 =	sand.u32 $0x7, s13;
	s16 =	sor.u32 s17, s16;
	s17 =	sadd.s32 s3, s30  }
0x11: {  	[tilespmem:s15+$0x1020 ss:$0x81] =	vst.msk $0xffff, v0;
	s13 =	sshll.u32 s31, $0x12;
	s12 =	sadd.s32 s12, s17;
	s16 =	sshrl.u32 s16, $0x3  }
0x12: {  	[tilespmem:s15+$0x0 ss:$0x81] =	vst.msk $0xffff, v1;
	s13 =	sor.u32 $0x400, s13;
	s12 =	sadd.s32 s16, s12  }
0x13: {  	[hbm4b:s12+s13] =	stream.strided.scatter [tilespmem:s14], [sflag:$0x2], $0x2000, s8, s13, $0x20;
	[tilespmem:$0x8080] =	vst v63  }
.LBB1_5:
0x14: {  	s14 =	sadd.s32 $0x1, s9  }
0x15: {  	s12 =	sadd.s32 $0x1000, s10;
	s16 =	smov.u32 s10;
	p2 =	sgt.s32 s14, $0xC7  }
0x16: {  	s16 =	smov.u32 @p2 s12  }
0x17: {  	s14 =	simm.s32 @p2 $0x0;
	p2 =	sgt.s32 s16, $0xFFF  }
0x18: {  	s16 =	smov.u32 @p2 s2;
	p2 =	sne.s32 s11, s7  }
.Ltmp1:
0x19: {  	p1 =	slt.u32 s11, $0x2;
	(pc) =	sbr.rel @!p2 .LBB1_6-.Ltmp1, $4  }
0x1a: {  	s15 =	simm.s32 @!p1 $0x2  }
0x1b: {  	s13 =	smov.u32 s10;
	p0 =	por !p0, !p0;
	_ =	swait.ge @!p1 [sflag:s15], $0x2000  }
0x1c: {  	s12 =	smov.u32 s9;
	[sflag:s15] =	ssyncset.done @!p1 $0x0;
	s9 =	smov.u32 s14  }
0x1d: {  	s11 =	sadd.s32 $0x1, s11;
	[sflag:s15] =	ssyncadd.s32 @!p1 $0xFFFFE000;
	s10 =	smov.u32 s16  }
.LBB1_1:
0x1e: {  	p1 =	sge.u32 s11, s5  }
0x1f: {  	s14 =	sand.u32 @!p1 $0x1FFFFFF, s9  }
0x20: {  	s15 =	smulhi.u32 @!p1 $0x147AE15, s14;
	_ =	sdelay $0x1  }
0x21: {  	s15 =	smul.u32 @!p1 $0xC8, s15  }
0x22: {  	s16 =	sxor.u32 @!p1 $0xFFFFFFFF, s11;
	s17 =	smul.u32 @!p1 $0xC80, s10  }
0x23: {  	s31 =	sadd.s32 $0xFFFFFFFF, s11;
	s16 =	sshll.u32 @!p1 s16, $0xD;
	s14 =	ssub.s32 @!p1 s14, s15  }
0x24: {  	s15 =	sand.u32 @!p1 $0x2000, s16;
	s16 =	sadd.s32 @!p1 s6, s17;
	s14 =	sshll.u32 @!p1 s14, $0x4  }
0x25: {  	s17 =	simm.s32 @!p1 $0x6400;
	s14 =	sadd.s32 @!p1 s14, s16;
	s16 =	simm.s32 @!p1 $0x40  }
0x26: {  	[tilespmem:s15], [sflag:$0x1] =	stream.strided.gather @!p1 [hbm4b:s14+s16], $0x2000, s17, s16, $0x38;
	[tilespmem:$0x8080] =	vst v63  }
0x27: {  	p1 =	sge.u32 s31, s5  }
.Ltmp2:
0x28: {  	_ = 	snop;
	(pc) =	sbr.rel @p1 .LBB1_5-.Ltmp2, $1  }
0x29: {  	_ =	sdelay $0x3  }
0x2a: {  	s14 =	simm.s32 $0x1  }
0x2b: {  	_ =	swait.ge [sflag:s4], $0x2000;
	s14 =	simm.s32 @!p0 $0x0  }
0x2c: {  	[sflag:s4] =	ssyncset.done $0x0;
	s15 =	sshll.u32 s14, $0xD  }
0x2d: {  	[sflag:s4] =	ssyncadd.s32 $0xFFFFE000;
	s18 =	sor.u32 $0x20, s15  }
0x2e: {  	s14 =	smul.u32 $0x8100, s14;
	v3 =	vld [tilespmem:s18+$0x10]  }
0x2f: {  	s30 =	sand.u32 $0x1, s11;
	v2 =	vld [tilespmem:s18+$0xFFFFFFF0]  }
0x30: {  	s15 =	smul.u32 $0x8100, s30;
	s14 =	sshrl.u32 s14, $0x2;
	v0 =	vld [tilespmem:s18+$0x0]  }
0x31: {  	v1 =	vld [tilespmem:s18+$0xFFFFFFE0];
	s16 =	sor.u32 $0x4000, s14  }
0x32: {  	s31 =	sshrl.u32 s15, $0x2;
	s15 =	sadd.s32 $0x0, s16  }
0x33: {  	s17 =	simm.s32 $0x4;
	s18 =	sadd.s32 $0x40, s18;
	s14 =	sor.u32 $0x4000, s31;
	[tilespmem:s15+$0x1830 ss:$0x81] =	vst.msk $0xffff, v3  }
.LBB1_3:
0x34: {  	v3 =	vld [tilespmem:s18+$0x10];
	p1 =	sne.s32 s17, $0x1FC;
	[tilespmem:s15+$0x810 ss:$0x81] =	vst.msk $0xffff, v2;
	s19 =	smov.u32 s17;
	s17 =	sadd.s32 $0x4, s17  }
.Ltmp3:
0x35: {  	v2 =	vld [tilespmem:s18+$0xFFFFFFF0];
	[tilespmem:s15+$0x1020 ss:$0x81] =	vst.msk $0xffff, v0;
	(pc) =	sbr.rel @p1 .LBB1_3-.Ltmp3, $4  }
0x36: {  	v0 =	vld [tilespmem:s18+$0x0];
	[tilespmem:s15+$0x0 ss:$0x81] =	vst.msk $0xffff, v1  }
0x37: {  	s15 =	sshra.s32 s19, $0x2;
	v1 =	vld [tilespmem:s18+$0xFFFFFFE0]  }
0x38: {  	s15 =	sadd.s32 s15, s16  }
0x39: {  	s18 =	sadd.s32 $0x40, s18;
	[tilespmem:s15+$0x1830 ss:$0x81] =	vst.msk $0xffff, v3  }
.Ltmp4:
0x3a: {  	_ = 	snop;
	(pc) =	sbr.rel .LBB1_4-.Ltmp4, $1  }
0x3b: {  	_ =	sdelay $0x3  }
.LBB1_6:
0x3c: {  	_ =	sfence.sel $0x180000  }
0x3d: {  	s2 =	simm.s32 $0x1;
	[bflag:$0x0] =	sbarrier.arrive $0xFFFF  }
0x3e: {  	s31 =	simm.s32 $0x2;
	[sflag:s2] =	ssyncpa.u1 $0x1  }
0x3f: {  	[sflag:s31] =	ssyncpa.u1 $0x1  }
0x40: {  	p0 =	sne.s32 s0, $0x0;
	_ =	strace $0x9000004A  }
0x41: {  	s0 =	sadd.s32 @!p0 $0x100000, s1;
	[bflag:$0x2] =	sbarrier.arrive $0xFFFF  }
0x42: {  	[sflag:s0] =	ssyncadd.tile.s32 @!p0 $0x1;
	_ =	shalt  }
.Lfunc_end1:
_tile_overlayer_lowered:
.L_overlay_start_2:
0x43: {  	(tag) =	ssettag $0x2  }
0x44: {  	s0 =	rddreg [dreg:$0x0];
	s2 =	stileid.u32  }
0x45: {  	s1 =	rddreg [dreg:$0x1];
	p0 =	sne.s32 s2, $0x0  }
0x46: {  	s3 =	rddreg [dreg:$0x2];
	[bflag:$0x3] =	sbarrier.arrive $0xFFFF;
	s2 =	simm.s32 @!p0 $0x1C01  }
0x47: {  	[timem:s3], [sflag:s2] =	dma.local @!p0 [hbm:s0], s1  }
0x48: {  	s0 =	simm.s32 @!p0 $0x1  }
0x49: {  	_ =	swait.ge @!p0 [sflag:s0], s1  }
0x4a: {  	s1 =	ssub.s32 @!p0 $0x0, s1;
	[sflag:s0] =	ssyncset.done @!p0 $0x0  }
0x4b: {  	[sflag:s0] =	ssyncadd.s32 @!p0 s1  }
0x4c: {  	[bflag:$0x3] =	sbarrier.arrive $0xFFFF  }
0x4d: {  	_ =	shalt  }

</sc_bundles>
